<compile_context>
chip_gen: v7x
topology: tpu7x:2x2x1
jax: 0.10.2.dev20260603
libtpu: 0.0.44.dev20260713+nightly
codegen_flags: <defaults>
</compile_context>

<pallas_src>
import jax
import jax.numpy as jnp
from jax import lax
from jax.experimental import pallas as pl
from jax.experimental.pallas import tpu as pltpu
from jax.experimental.pallas import tpu_sc as plsc

N = 10000
E = 160000
HD = 128
NF = 512

NC = 2
NS = 16
NW = NC * NS


_RB = 2000
_NH = NF // 2


def _pack_bf16_pair(x):
    lo = jax.lax.bitcast_convert_type(x[:, :_NH], jnp.int32)
    hi = jax.lax.bitcast_convert_type(x[:, _NH:], jnp.int32)

    def rnd(u):
        return u + jnp.int32(0x7FFF) + ((u >> 16) & jnp.int32(1))

    return ((rnd(hi) & jnp.int32(-65536))
            | ((rnd(lo) >> 16) & jnp.int32(0xFFFF)))


def _unpack_bf16_pair(w):
    lo = jax.lax.bitcast_convert_type(w << 16, jnp.float32)
    hi = jax.lax.bitcast_convert_type(w & jnp.int32(-65536), jnp.float32)
    return lo, hi


def _pre_body(x_ref, v_ref, w1a_ref, w1b_ref, b1_ref, a_ref, b_ref,
              px_ref, py_ref, pz_ref):
    nf = jnp.concatenate([x_ref[...], v_ref[...]],
                         axis=1).astype(jnp.bfloat16)
    px_ref[...] = jnp.mean(v_ref[:, 0:HD], axis=1, keepdims=True)
    py_ref[...] = jnp.mean(v_ref[:, HD:2 * HD], axis=1, keepdims=True)
    pz_ref[...] = jnp.mean(v_ref[:, 2 * HD:3 * HD], axis=1, keepdims=True)
    a = (jnp.dot(nf, w1a_ref[...], preferred_element_type=jnp.float32)
         + b1_ref[...])
    b = jnp.dot(nf, w1b_ref[...], preferred_element_type=jnp.float32)
    a_ref[...] = _pack_bf16_pair(a)
    b_ref[...] = _pack_bf16_pair(b)


def _pre(x, v2, w1a, w1b, b1r):
    grid = (N // _RB,)
    return pl.pallas_call(
        _pre_body,
        grid=grid,
        in_specs=[
            pl.BlockSpec((_RB, HD), lambda i: (i, 0)),
            pl.BlockSpec((_RB, 3 * HD), lambda i: (i, 0)),
            pl.BlockSpec((NF, NF), lambda i: (0, 0)),
            pl.BlockSpec((NF, NF), lambda i: (0, 0)),
            pl.BlockSpec((1, NF), lambda i: (0, 0)),
        ],
        out_specs=[
            pl.BlockSpec((_RB, _NH), lambda i: (i, 0)),
            pl.BlockSpec((_RB, _NH), lambda i: (i, 0)),
            pl.BlockSpec((_RB, 1), lambda i: (i, 0)),
            pl.BlockSpec((_RB, 1), lambda i: (i, 0)),
            pl.BlockSpec((_RB, 1), lambda i: (i, 0)),
        ],
        out_shape=[
            jax.ShapeDtypeStruct((N, _NH), jnp.int32),
            jax.ShapeDtypeStruct((N, _NH), jnp.int32),
            jax.ShapeDtypeStruct((N, 1), jnp.float32),
            jax.ShapeDtypeStruct((N, 1), jnp.float32),
            jax.ShapeDtypeStruct((N, 1), jnp.float32),
        ],
        compiler_params=pltpu.CompilerParams(
            dimension_semantics=("parallel",)),
    )(x, v2, w1a, w1b, b1r)



_GK = 40
_GCH = E // _GK
_GIT = _GCH // NW
_GPAIRS = _GIT // 2


def _gather_body(a2, b2, row, col, pxh, pyh, pzh, ar, bc, d2h,
                 idxr, idxc, bufa, bufb, px, py, pz, d2b, sg, sw):
    c = lax.axis_index("c")
    s = lax.axis_index("s")
    wid = s * NC + c
    pltpu.sync_copy(pxh, px)
    pltpu.sync_copy(pyh, py)
    pltpu.sync_copy(pzh, pz)

    def dist2(i, p):
        off = (wid + NW * i) * _GK
        for oj in (0, 16, _GK - 16):
            ir = idxr[p][pl.ds(oj, 16)]
            ic = idxc[p][pl.ds(oj, 16)]
            dx = plsc.load_gather(px, [ir]) - plsc.load_gather(px, [ic])
            dy = plsc.load_gather(py, [ir]) - plsc.load_gather(py, [ic])
            dz = plsc.load_gather(pz, [ir]) - plsc.load_gather(pz, [ic])
            d2b[pl.ds(oj, 16)] = dx * dx + dy * dy + dz * dz
        pltpu.sync_copy(d2b, d2h.at[pl.ds(off, _GK)])

    def process(i, p):
        off = (wid + NW * i) * _GK
        pltpu.sync_copy(row.at[pl.ds(off, _GK)], idxr[p])
        pltpu.sync_copy(col.at[pl.ds(off, _GK)], idxc[p])
        da = pltpu.async_copy(a2.at[idxr[p]], bufa[p], sg[2 * p])
        db = pltpu.async_copy(b2.at[idxc[p]], bufb[p], sg[2 * p + 1])
        dist2(i, p)
        da.wait()
        pltpu.async_copy(bufa[p], ar.at[pl.ds(off, _GK)], sw[2 * p])
        db.wait()
        pltpu.async_copy(bufb[p], bc.at[pl.ds(off, _GK)], sw[2 * p + 1])

    def drain(p):
        pltpu.make_async_copy(bufa[p], ar.at[pl.ds(0, _GK)], sw[2 * p]).wait()
        pltpu.make_async_copy(bufb[p], bc.at[pl.ds(0, _GK)], sw[2 * p + 1]).wait()

    def it(j, carry):
        @pl.when(j > 0)
        def _():
            drain(0)

        process(2 * j, 0)

        @pl.when(j > 0)
        def _():
            drain(1)

        process(2 * j + 1, 1)
        return carry

    lax.fori_loop(0, _GPAIRS, it, 0)
    drain(0)
    process(_GIT - 1, 0)
    drain(0)
    drain(1)


def _sc_gather(a2, b2, row, col, px, py, pz):
    mesh = plsc.VectorSubcoreMesh(core_axis_name="c", subcore_axis_name="s")
    f = pl.kernel(
        _gather_body,
        out_type=[
            jax.ShapeDtypeStruct((E, _NH), jnp.int32),
            jax.ShapeDtypeStruct((E, _NH), jnp.int32),
            jax.ShapeDtypeStruct((E,), jnp.float32),
        ],
        mesh=mesh,
        scratch_types=[
            [pltpu.VMEM((_GK,), jnp.int32) for _ in range(2)],
            [pltpu.VMEM((_GK,), jnp.int32) for _ in range(2)],
            [pltpu.VMEM((_GK, _NH), jnp.int32) for _ in range(2)],
            [pltpu.VMEM((_GK, _NH), jnp.int32) for _ in range(2)],
            pltpu.VMEM((N,), jnp.float32),
            pltpu.VMEM((N,), jnp.float32),
            pltpu.VMEM((N,), jnp.float32),
            pltpu.VMEM((_GK,), jnp.float32),
            [pltpu.SemaphoreType.DMA for _ in range(4)],
            [pltpu.SemaphoreType.DMA for _ in range(4)],
        ],
        compiler_params=pltpu.CompilerParams(needs_layout_passes=False),
    )
    return f(a2, b2, row, col, px, py, pz)



_EB = 2000


def _mlp_body(ar_ref, bc_ref, d2_ref, w1d_ref, w2_ref, b2_ref, out_ref):
    dist = jnp.sqrt(d2_ref[...] + 1e-12)
    alo, ahi = _unpack_bf16_pair(ar_ref[...])
    blo, bhi = _unpack_bf16_pair(bc_ref[...])
    w1d = w1d_ref[...]
    u_lo = alo + blo + dist * w1d[:, :_NH]
    u_hi = ahi + bhi + dist * w1d[:, _NH:]
    u = jnp.concatenate([u_lo, u_hi], axis=1)
    h = (u * jax.nn.sigmoid(u)).astype(jnp.bfloat16)
    m = jnp.dot(h, w2_ref[...], preferred_element_type=jnp.float32) + b2_ref[...]
    msg = m * jax.nn.sigmoid(m)
    for k in range(4):
        out_ref[k, :, :] = msg[:, k * HD:(k + 1) * HD]


def _mlp(ar, bc, d2, w1d, w2, b2r):
    grid = (E // _EB,)
    return pl.pallas_call(
        _mlp_body,
        grid=grid,
        in_specs=[
            pl.BlockSpec((_EB, _NH), lambda i: (i, 0)),
            pl.BlockSpec((_EB, _NH), lambda i: (i, 0)),
            pl.BlockSpec((_EB, 1), lambda i: (i, 0)),
            pl.BlockSpec((1, NF), lambda i: (0, 0)),
            pl.BlockSpec((NF, NF), lambda i: (0, 0)),
            pl.BlockSpec((1, NF), lambda i: (0, 0)),
        ],
        out_specs=pl.BlockSpec((4, _EB, HD), lambda i: (0, i, 0)),
        out_shape=jax.ShapeDtypeStruct((4, E, HD), jnp.float32),
        compiler_params=pltpu.CompilerParams(
            dimension_semantics=("parallel",)),
    )(ar, bc, d2, w1d, w2, b2r)



_SK = 128
_SCH = E // _SK
_SIT = -(-_SCH // NS)
_RPT = 624
_TAIL = N - NS * _RPT


def _scatter_body(msg4, row, zr, agg4, idxv, mbuf, acc, sm):
    c = lax.axis_index("c")
    s = lax.axis_index("s")
    for fc in range(2):
        fidx = c * 2 + fc
        pltpu.sync_copy(zr.at[pl.ds(0, _RPT)], acc.at[pl.ds(s * _RPT, _RPT)])

        @pl.when(s == 0)
        def _():
            pltpu.sync_copy(zr.at[pl.ds(0, _TAIL)],
                            acc.at[pl.ds(NS * _RPT, _TAIL)])

        plsc.subcore_barrier()

        def it(i, carry):
            cid = s + NS * i

            @pl.when(cid < _SCH)
            def _():
                off = cid * _SK
                pltpu.sync_copy(row.at[pl.ds(off, _SK)], idxv[0])
                pltpu.sync_copy(msg4.at[pl.ds(fidx * E + off, _SK), :],
                                mbuf[0])
                pltpu.sync_copy(mbuf[0], acc.at[idxv[0]], add=True)

            return carry

        lax.fori_loop(0, _SIT, it, 0)
        plsc.subcore_barrier()
        pltpu.sync_copy(acc.at[pl.ds(s * _RPT, _RPT)],
                        agg4.at[fidx, pl.ds(s * _RPT, _RPT), :])

        @pl.when(s == 0)
        def _():
            pltpu.sync_copy(acc.at[pl.ds(NS * _RPT, _TAIL)],
                            agg4.at[fidx, pl.ds(NS * _RPT, _TAIL), :])


def _sc_scatter(msg4, row):
    mesh = plsc.VectorSubcoreMesh(core_axis_name="c", subcore_axis_name="s")
    zr = jnp.zeros((_RPT, HD), jnp.float32)
    msg4 = msg4.reshape(4 * E, HD)
    f = pl.kernel(
        _scatter_body,
        out_type=jax.ShapeDtypeStruct((4, N, HD), jnp.float32),
        mesh=mesh,
        scratch_types=[
            [pltpu.VMEM((_SK,), jnp.int32) for _ in range(2)],
            [pltpu.VMEM((_SK, HD), jnp.float32) for _ in range(2)],
            pltpu.VMEM_SHARED((N, HD), jnp.float32),
            [pltpu.SemaphoreType.DMA for _ in range(2)],
        ],
    )
    return f(msg4, row, zr)




def _final_body(x_ref, v_ref, agg_ref, u1a_ref, u1b_ref, c1_ref, u2_ref,
                c2_ref, out_ref):
    nf = jnp.concatenate([x_ref[...], v_ref[...]], axis=1).astype(jnp.bfloat16)
    agg = jnp.concatenate([agg_ref[k] for k in range(4)],
                          axis=1).astype(jnp.bfloat16)
    g = (jnp.dot(nf, u1a_ref[...], preferred_element_type=jnp.float32)
         + jnp.dot(agg, u1b_ref[...], preferred_element_type=jnp.float32)
         + c1_ref[...])
    h2 = (g * jax.nn.sigmoid(g)).astype(jnp.bfloat16)
    out_ref[...] = (jnp.dot(h2, u2_ref[...], preferred_element_type=jnp.float32)
                    + c2_ref[...])


def _final(x, v2, agg4, u1a, u1b, c1r, u2, c2r):
    grid = (N // _RB,)
    return pl.pallas_call(
        _final_body,
        grid=grid,
        in_specs=[
            pl.BlockSpec((_RB, HD), lambda i: (i, 0)),
            pl.BlockSpec((_RB, 3 * HD), lambda i: (i, 0)),
            pl.BlockSpec((4, _RB, HD), lambda i: (0, i, 0)),
            pl.BlockSpec((NF, NF), lambda i: (0, 0)),
            pl.BlockSpec((NF, NF), lambda i: (0, 0)),
            pl.BlockSpec((1, NF), lambda i: (0, 0)),
            pl.BlockSpec((NF, NF), lambda i: (0, 0)),
            pl.BlockSpec((1, NF), lambda i: (0, 0)),
        ],
        out_specs=pl.BlockSpec((_RB, NF), lambda i: (i, 0)),
        out_shape=jax.ShapeDtypeStruct((N, NF), jnp.float32),
        compiler_params=pltpu.CompilerParams(
            dimension_semantics=("parallel",)),
    )(x, v2, agg4, u1a, u1b, c1r, u2, c2r)


def kernel(x, v, edge_index, W1, b1, W2, b2, U1, c1, U2, c2):
    v2 = v.reshape(N, 3 * HD)
    row = edge_index[0].astype(jnp.int32)
    col = edge_index[1].astype(jnp.int32)
    w1a = W1[:NF].astype(jnp.bfloat16)
    w1b = W1[NF:2 * NF].astype(jnp.bfloat16)
    w1d = W1[2 * NF].reshape(1, NF)
    an, bn, px, py, pz = _pre(x, v2, w1a, w1b, b1.reshape(1, NF))
    ar, bc, d2 = _sc_gather(an, bn, row, col, px.reshape(N), py.reshape(N),
                            pz.reshape(N))
    msg4 = _mlp(ar, bc, d2.reshape(E, 1), w1d,
                W2.astype(jnp.bfloat16), b2.reshape(1, NF))
    agg4 = _sc_scatter(msg4, row)
    bf = jnp.bfloat16
    out = _final(x, v2, agg4, U1[:NF].astype(bf), U1[NF:].astype(bf),
                 c1.reshape(1, NF), U2.astype(bf), c2.reshape(1, NF))
    return out[:, :HD], out[:, HD:].reshape(N, 3, HD)

# --- scband reference (transcript-rebuilt; emitter-appended) ---
"""Pipeline reference for scband-vanilla-layer-66511863545967 (READ-ONLY COPY).

The authoritative reference and input builder live on the scoring server;
editing this copy changes nothing except your own understanding.
"""

import jax, jax.numpy as jnp
import numpy as np

N = 10000
E = 160000
HD = 128
NF = HD + 3 * HD  # 512
DIN = 2 * NF + 1  # 1025


def setup_inputs(seed: int = 0) -> dict:
    key = jax.random.key(seed)
    ks = jax.random.split(key, 12)
    x = jax.random.normal(ks[0], (N, HD), dtype=jnp.float32)
    v = jax.random.normal(ks[1], (N, 3, HD), dtype=jnp.float32)
    edge_index = jax.random.randint(ks[2], (2, E), 0, N)
    W1 = jax.random.normal(ks[3], (DIN, NF), dtype=jnp.float32) * 0.02
    b1 = jnp.zeros((NF,), dtype=jnp.float32)
    W2 = jax.random.normal(ks[4], (NF, NF), dtype=jnp.float32) * 0.02
    b2 = jnp.zeros((NF,), dtype=jnp.float32)
    U1 = jax.random.normal(ks[5], (2 * NF, NF), dtype=jnp.float32) * 0.02
    c1 = jnp.zeros((NF,), dtype=jnp.float32)
    U2 = jax.random.normal(ks[6], (NF, NF), dtype=jnp.float32) * 0.02
    c2 = jnp.zeros((NF,), dtype=jnp.float32)
    return {"x": x, "v": v, "edge_index": edge_index,
            "W1": W1, "b1": b1, "W2": W2, "b2": b2,
            "U1": U1, "c1": c1, "U2": U2, "c2": c2}


def reference(x, v, edge_index, W1, b1, W2, b2, U1, c1, U2, c2):
    row, col = edge_index[0], edge_index[1]
    v_flat = v.reshape(v.shape[0], -1)
    node_feats = jnp.concatenate([x, v_flat], axis=-1)  # [N, 512]
    pseudo_pos = v.mean(axis=-1)  # [N, 3]
    rij = pseudo_pos[row] - pseudo_pos[col]
    # eps-stabilized norm (avoids NaN grad on self-loop edges)
    dist = jnp.sqrt(jnp.sum(rij * rij, axis=-1, keepdims=True) + 1e-12)
    edge_input = jnp.concatenate([node_feats[row], node_feats[col], dist], axis=-1)  # [E, 1025]
    h = jax.nn.silu(edge_input @ W1 + b1)
    messages = jax.nn.silu(h @ W2 + b2)  # [E, 512]
    aggregated = jnp.zeros_like(node_feats).at[row].add(messages)
    update_input = jnp.concatenate([node_feats, aggregated], axis=-1)  # [N, 1024]
    h2 = jax.nn.silu(update_input @ U1 + c1)
    new_node_feats = h2 @ U2 + c2  # [N, 512]
    x_new = new_node_feats[:, :HD]
    v_new = new_node_feats[:, HD:].reshape(v.shape[0], 3, HD)
    return (x_new, v_new)

if __name__ == "__main__":
    import jax
    _d = setup_inputs()
    print(jax.jit(kernel)(*tuple(_d.values())))

</pallas_src>

<mosaic_0001>
#map = affine_map<(d0, d1) -> (0, 0)>
#map1 = affine_map<(d0, d1) -> (0)>
#map2 = affine_map<(d0, d1) -> (0, 0, 0)>
module attributes {stable_mosaic.version = 14 : i64} {
  func.func @_scatter_body(%arg0: i32, %arg1: i32, %arg2: memref<640000x128xf32, #tpu.memory_space<hbm>>, %arg3: memref<160000xi32, #tpu.memory_space<hbm>>, %arg4: memref<624x128xf32, #tpu.memory_space<hbm>>, %arg5: memref<4x10000x128xf32, #tpu.memory_space<hbm>>, %arg6: memref<128xi32, #tpu.memory_space<vmem>>, %arg7: memref<128xi32, #tpu.memory_space<vmem>>, %arg8: memref<128x128xf32, #tpu.memory_space<vmem>>, %arg9: memref<128x128xf32, #tpu.memory_space<vmem>>, %arg10: memref<10000x128xf32, #tpu.memory_space<vmem_shared>>, %arg11: memref<!tpu.dma_semaphore, #tpu.memory_space<semaphore_mem>>, %arg12: memref<!tpu.dma_semaphore, #tpu.memory_space<semaphore_mem>>) attributes {dimension_semantics = [#tpu.dimension_semantics<core_parallel>, #tpu.dimension_semantics<subcore_parallel>], iteration_bounds = array<i64: 2, 16>, scalar_prefetch = 0 : i64, scratch_operands = 7 : i64, tpu.core_type = #tpu.core_type<sc_vector_subcore>, window_params = [{transform_indices = #map}, {transform_indices = #map1}, {transform_indices = #map}, {transform_indices = #map2}]} {
    %mul3A = arith.constant 2 : i32
    %mul3A_0 = arith.muli %arg0, %mul3A : i32
    %add3A = arith.constant 0 : i32
    %add3A_1 = arith.addi %mul3A_0, %add3A : i32
    %mul3A_2 = arith.constant 624 : i32
    %mul3A_3 = arith.muli %arg1, %mul3A_2 : i32
    "tpu.region"() ({
      %run_scoped3A = tpu.sem_alloc : memref<!tpu.dma_semaphore, #tpu.memory_space<semaphore_mem>>
      %dma_start3A = arith.constant 0 : i32
      %dma_start3A_49 = tpu.memref_slice %arg10[%mul3A_3, %dma_start3A] : memref<10000x128xf32, #tpu.memory_space<vmem_shared>> -> memref<624x128xf32, #tpu.memory_space<vmem_shared>>
      %dma_start3A_50 = arith.constant 0 : i32
      %dma_start3A_51 = arith.constant 0 : i32
      %dma_start3A_52 = tpu.memref_slice %arg4[%dma_start3A_50, %dma_start3A_51] : memref<624x128xf32, #tpu.memory_space<hbm>> -> memref<624x128xf32, #tpu.memory_space<hbm>>
      tpu.enqueue_dma source(%dma_start3A_52 : memref<624x128xf32, #tpu.memory_space<hbm>>) target(%dma_start3A_49 : memref<624x128xf32, #tpu.memory_space<vmem_shared>>) target_semaphore(%run_scoped3A : memref<!tpu.dma_semaphore, #tpu.memory_space<semaphore_mem>>)
      %dma_wait3A = arith.constant 0 : i32
      %dma_wait3A_53 = tpu.memref_slice %arg10[%mul3A_3, %dma_wait3A] : memref<10000x128xf32, #tpu.memory_space<vmem_shared>> -> memref<624x128xf32, #tpu.memory_space<vmem_shared>>
      %dma_wait3A_54 = arith.constant 0 : i32
      %dma_wait3A_55 = arith.constant 0 : i32
      %dma_wait3A_56 = tpu.memref_slice %arg4[%dma_wait3A_54, %dma_wait3A_55] : memref<624x128xf32, #tpu.memory_space<hbm>> -> memref<624x128xf32, #tpu.memory_space<hbm>>
      tpu.wait_dma2 semaphore(%run_scoped3A : memref<!tpu.dma_semaphore, #tpu.memory_space<semaphore_mem>>) src(%dma_wait3A_56 : memref<624x128xf32, #tpu.memory_space<hbm>>) dst(%dma_wait3A_53 : memref<624x128xf32, #tpu.memory_space<vmem_shared>>)
      tpu.yield
    }) : () -> ()
    %eq3A = arith.constant 0 : i32
    %eq3A_4 = arith.cmpi eq, %arg1, %eq3A : i32
    %convert_element_type3A = arith.extui %eq3A_4 : i1 to i32
    %cond3A = arith.constant 0 : i32
    %cond3A_5 = arith.cmpi ne, %convert_element_type3A, %cond3A : i32
    scf.if %cond3A_5 {
      "tpu.region"() ({
        %run_scoped3A = tpu.sem_alloc : memref<!tpu.dma_semaphore, #tpu.memory_space<semaphore_mem>>
        %dma_start3A = arith.constant 9984 : i32
        %dma_start3A_49 = arith.constant 0 : i32
        %dma_start3A_50 = tpu.memref_slice %arg10[%dma_start3A, %dma_start3A_49] : memref<10000x128xf32, #tpu.memory_space<vmem_shared>> -> memref<16x128xf32, #tpu.memory_space<vmem_shared>>
        %dma_start3A_51 = arith.constant 0 : i32
        %dma_start3A_52 = arith.constant 0 : i32
        %dma_start3A_53 = tpu.memref_slice %arg4[%dma_start3A_51, %dma_start3A_52] : memref<624x128xf32, #tpu.memory_space<hbm>> -> memref<16x128xf32, #tpu.memory_space<hbm>>
        tpu.enqueue_dma source(%dma_start3A_53 : memref<16x128xf32, #tpu.memory_space<hbm>>) target(%dma_start3A_50 : memref<16x128xf32, #tpu.memory_space<vmem_shared>>) target_semaphore(%run_scoped3A : memref<!tpu.dma_semaphore, #tpu.memory_space<semaphore_mem>>)
        %dma_wait3A = arith.constant 9984 : i32
        %dma_wait3A_54 = arith.constant 0 : i32
        %dma_wait3A_55 = tpu.memref_slice %arg10[%dma_wait3A, %dma_wait3A_54] : memref<10000x128xf32, #tpu.memory_space<vmem_shared>> -> memref<16x128xf32, #tpu.memory_space<vmem_shared>>
        %dma_wait3A_56 = arith.constant 0 : i32
        %dma_wait3A_57 = arith.constant 0 : i32
        %dma_wait3A_58 = tpu.memref_slice %arg4[%dma_wait3A_56, %dma_wait3A_57] : memref<624x128xf32, #tpu.memory_space<hbm>> -> memref<16x128xf32, #tpu.memory_space<hbm>>
        tpu.wait_dma2 semaphore(%run_scoped3A : memref<!tpu.dma_semaphore, #tpu.memory_space<semaphore_mem>>) src(%dma_wait3A_58 : memref<16x128xf32, #tpu.memory_space<hbm>>) dst(%dma_wait3A_55 : memref<16x128xf32, #tpu.memory_space<vmem_shared>>)
        tpu.yield
      }) : () -> ()
    } else {
    }
    %barrier3A = arith.constant 0 : index
    tpu.barrier barrier_id(%barrier3A)
    %scan3A = arith.constant 0 : i32
    %scan3A_6 = arith.constant 0 : i32
    %scan3A_7 = arith.constant 79 : i32
    %scan3A_8 = arith.addi %scan3A_6, %scan3A_7 : i32
    %scan3A_9 = arith.constant 1 : i32
    scf.for %scan3A_49 = %scan3A_6 to %scan3A_8 step %scan3A_9  : i32 {
      %mul3A_50 = arith.constant 16 : i32
      %mul3A_51 = arith.muli %mul3A_50, %scan3A_49 : i32
      %add3A_52 = arith.addi %arg1, %mul3A_51 : i32
      %lt3A = arith.constant 1250 : i32
      %lt3A_53 = arith.cmpi slt, %add3A_52, %lt3A : i32
      %convert_element_type3A_54 = arith.extui %lt3A_53 : i1 to i32
      %cond3A_55 = arith.constant 0 : i32
      %cond3A_56 = arith.cmpi ne, %convert_element_type3A_54, %cond3A_55 : i32
      scf.if %cond3A_56 {
        %mul3A_57 = arith.constant 128 : i32
        %mul3A_58 = arith.muli %add3A_52, %mul3A_57 : i32
        "tpu.region"() ({
          %run_scoped3A = tpu.sem_alloc : memref<!tpu.dma_semaphore, #tpu.memory_space<semaphore_mem>>
          %dma_start3A = tpu.memref_slice %arg3[%mul3A_58] : memref<160000xi32, #tpu.memory_space<hbm>> -> memref<128xi32, #tpu.memory_space<hbm>>
          %dma_start3A_62 = tpu.memref_slice %arg3[%mul3A_58] : memref<160000xi32, #tpu.memory_space<hbm>> -> memref<128xi32, #tpu.memory_space<hbm>>
          tpu.enqueue_dma source(%dma_start3A_62 : memref<128xi32, #tpu.memory_space<hbm>>) target(%arg6 : memref<128xi32, #tpu.memory_space<vmem>>) target_semaphore(%run_scoped3A : memref<!tpu.dma_semaphore, #tpu.memory_space<semaphore_mem>>)
          %dma_wait3A = tpu.memref_slice %arg3[%mul3A_58] : memref<160000xi32, #tpu.memory_space<hbm>> -> memref<128xi32, #tpu.memory_space<hbm>>
          %dma_wait3A_63 = tpu.memref_slice %arg3[%mul3A_58] : memref<160000xi32, #tpu.memory_space<hbm>> -> memref<128xi32, #tpu.memory_space<hbm>>
          tpu.wait_dma2 semaphore(%run_scoped3A : memref<!tpu.dma_semaphore, #tpu.memory_space<semaphore_mem>>) src(%dma_wait3A_63 : memref<128xi32, #tpu.memory_space<hbm>>) dst(%arg6 : memref<128xi32, #tpu.memory_space<vmem>>)
          tpu.yield
        }) : () -> ()
        %mul3A_59 = arith.constant 160000 : i32
        %mul3A_60 = arith.muli %add3A_1, %mul3A_59 : i32
        %add3A_61 = arith.addi %mul3A_60, %mul3A_58 : i32
        "tpu.region"() ({
          %run_scoped3A = tpu.sem_alloc : memref<!tpu.dma_semaphore, #tpu.memory_space<semaphore_mem>>
          %dma_start3A = arith.constant 0 : i32
          %dma_start3A_62 = tpu.memref_slice %arg2[%add3A_61, %dma_start3A] : memref<640000x128xf32, #tpu.memory_space<hbm>> -> memref<128x128xf32, #tpu.memory_space<hbm>>
          %dma_start3A_63 = arith.constant 0 : i32
          %dma_start3A_64 = tpu.memref_slice %arg2[%add3A_61, %dma_start3A_63] : memref<640000x128xf32, #tpu.memory_space<hbm>> -> memref<128x128xf32, #tpu.memory_space<hbm>>
          tpu.enqueue_dma source(%dma_start3A_64 : memref<128x128xf32, #tpu.memory_space<hbm>>) target(%arg8 : memref<128x128xf32, #tpu.memory_space<vmem>>) target_semaphore(%run_scoped3A : memref<!tpu.dma_semaphore, #tpu.memory_space<semaphore_mem>>)
          %dma_wait3A = arith.constant 0 : i32
          %dma_wait3A_65 = tpu.memref_slice %arg2[%add3A_61, %dma_wait3A] : memref<640000x128xf32, #tpu.memory_space<hbm>> -> memref<128x128xf32, #tpu.memory_space<hbm>>
          %dma_wait3A_66 = arith.constant 0 : i32
          %dma_wait3A_67 = tpu.memref_slice %arg2[%add3A_61, %dma_wait3A_66] : memref<640000x128xf32, #tpu.memory_space<hbm>> -> memref<128x128xf32, #tpu.memory_space<hbm>>
          tpu.wait_dma2 semaphore(%run_scoped3A : memref<!tpu.dma_semaphore, #tpu.memory_space<semaphore_mem>>) src(%dma_wait3A_67 : memref<128x128xf32, #tpu.memory_space<hbm>>) dst(%arg8 : memref<128x128xf32, #tpu.memory_space<vmem>>)
          tpu.yield
        }) : () -> ()
        "tpu.region"() ({
          %run_scoped3A = tpu.sem_alloc : memref<!tpu.dma_semaphore, #tpu.memory_space<semaphore_mem>>
          %dma_start3A = arith.constant 0 : i32
          %dma_start3A_62 = arith.constant 0 : i32
          %dma_start3A_63 = tpu.memref_slice %arg10[%dma_start3A, %dma_start3A_62] : memref<10000x128xf32, #tpu.memory_space<vmem_shared>> -> memref<10000x128xf32, #tpu.memory_space<vmem_shared>>
          tpu.enqueue_indirect_dma source(%arg8 : memref<128x128xf32, #tpu.memory_space<vmem>>) target(%dma_start3A_63 : memref<10000x128xf32, #tpu.memory_space<vmem_shared>>) offsets(%arg6 : memref<128xi32, #tpu.memory_space<vmem>>) semaphore(%run_scoped3A : memref<!tpu.dma_semaphore, #tpu.memory_space<semaphore_mem>>) {add = true}
          %dma_wait3A = arith.constant 0 : i32
          %dma_wait3A_64 = arith.constant 0 : i32
          %dma_wait3A_65 = tpu.memref_slice %arg10[%dma_wait3A, %dma_wait3A_64] : memref<10000x128xf32, #tpu.memory_space<vmem_shared>> -> memref<10000x128xf32, #tpu.memory_space<vmem_shared>>
          tpu.wait_indirect_dma semaphore(%run_scoped3A : memref<!tpu.dma_semaphore, #tpu.memory_space<semaphore_mem>>) src(%arg8 : memref<128x128xf32, #tpu.memory_space<vmem>>) dst(%dma_wait3A_65 : memref<10000x128xf32, #tpu.memory_space<vmem_shared>>)
          tpu.yield
        }) : () -> ()
      } else {
      }
    }
    %scan3A_10 = arith.constant 79 : i32
    %barrier3A_11 = arith.constant 0 : index
    tpu.barrier barrier_id(%barrier3A_11)
    %mul3A_12 = arith.constant 624 : i32
    %mul3A_13 = arith.muli %arg1, %mul3A_12 : i32
    %mul3A_14 = arith.constant 624 : i32
    %mul3A_15 = arith.muli %arg1, %mul3A_14 : i32
    "tpu.region"() ({
      %run_scoped3A = tpu.sem_alloc : memref<!tpu.dma_semaphore, #tpu.memory_space<semaphore_mem>>
      %dma_start3A = arith.constant 0 : i32
      %dma_start3A_49 = tpu.memref_slice %arg5[%add3A_1, %mul3A_15, %dma_start3A] : memref<4x10000x128xf32, #tpu.memory_space<hbm>> -> memref<1x624x128xf32, #tpu.memory_space<hbm>>
      %dma_start3A_50 = tpu.memref_squeeze %dma_start3A_49 : memref<1x624x128xf32, #tpu.memory_space<hbm>> -> memref<624x128xf32, #tpu.memory_space<hbm>>
      %dma_start3A_51 = arith.constant 0 : i32
      %dma_start3A_52 = tpu.memref_slice %arg10[%mul3A_13, %dma_start3A_51] : memref<10000x128xf32, #tpu.memory_space<vmem_shared>> -> memref<624x128xf32, #tpu.memory_space<vmem_shared>>
      tpu.enqueue_dma source(%dma_start3A_52 : memref<624x128xf32, #tpu.memory_space<vmem_shared>>) target(%dma_start3A_50 : memref<624x128xf32, #tpu.memory_space<hbm>>) target_semaphore(%run_scoped3A : memref<!tpu.dma_semaphore, #tpu.memory_space<semaphore_mem>>)
      %dma_wait3A = arith.constant 0 : i32
      %dma_wait3A_53 = tpu.memref_slice %arg5[%add3A_1, %mul3A_15, %dma_wait3A] : memref<4x10000x128xf32, #tpu.memory_space<hbm>> -> memref<1x624x128xf32, #tpu.memory_space<hbm>>
      %dma_wait3A_54 = tpu.memref_squeeze %dma_wait3A_53 : memref<1x624x128xf32, #tpu.memory_space<hbm>> -> memref<624x128xf32, #tpu.memory_space<hbm>>
      %dma_wait3A_55 = arith.constant 0 : i32
      %dma_wait3A_56 = tpu.memref_slice %arg10[%mul3A_13, %dma_wait3A_55] : memref<10000x128xf32, #tpu.memory_space<vmem_shared>> -> memref<624x128xf32, #tpu.memory_space<vmem_shared>>
      tpu.wait_dma2 semaphore(%run_scoped3A : memref<!tpu.dma_semaphore, #tpu.memory_space<semaphore_mem>>) src(%dma_wait3A_56 : memref<624x128xf32, #tpu.memory_space<vmem_shared>>) dst(%dma_wait3A_54 : memref<624x128xf32, #tpu.memory_space<hbm>>)
      tpu.yield
    }) : () -> ()
    %eq3A_16 = arith.constant 0 : i32
    %eq3A_17 = arith.cmpi eq, %arg1, %eq3A_16 : i32
    %convert_element_type3A_18 = arith.extui %eq3A_17 : i1 to i32
    %cond3A_19 = arith.constant 0 : i32
    %cond3A_20 = arith.cmpi ne, %convert_element_type3A_18, %cond3A_19 : i32
    scf.if %cond3A_20 {
      "tpu.region"() ({
        %run_scoped3A = tpu.sem_alloc : memref<!tpu.dma_semaphore, #tpu.memory_space<semaphore_mem>>
        %dma_start3A = arith.constant 9984 : i32
        %dma_start3A_49 = arith.constant 0 : i32
        %dma_start3A_50 = tpu.memref_slice %arg5[%add3A_1, %dma_start3A, %dma_start3A_49] : memref<4x10000x128xf32, #tpu.memory_space<hbm>> -> memref<1x16x128xf32, #tpu.memory_space<hbm>>
        %dma_start3A_51 = tpu.memref_squeeze %dma_start3A_50 : memref<1x16x128xf32, #tpu.memory_space<hbm>> -> memref<16x128xf32, #tpu.memory_space<hbm>>
        %dma_start3A_52 = arith.constant 9984 : i32
        %dma_start3A_53 = arith.constant 0 : i32
        %dma_start3A_54 = tpu.memref_slice %arg10[%dma_start3A_52, %dma_start3A_53] : memref<10000x128xf32, #tpu.memory_space<vmem_shared>> -> memref<16x128xf32, #tpu.memory_space<vmem_shared>>
        tpu.enqueue_dma source(%dma_start3A_54 : memref<16x128xf32, #tpu.memory_space<vmem_shared>>) target(%dma_start3A_51 : memref<16x128xf32, #tpu.memory_space<hbm>>) target_semaphore(%run_scoped3A : memref<!tpu.dma_semaphore, #tpu.memory_space<semaphore_mem>>)
        %dma_wait3A = arith.constant 9984 : i32
        %dma_wait3A_55 = arith.constant 0 : i32
        %dma_wait3A_56 = tpu.memref_slice %arg5[%add3A_1, %dma_wait3A, %dma_wait3A_55] : memref<4x10000x128xf32, #tpu.memory_space<hbm>> -> memref<1x16x128xf32, #tpu.memory_space<hbm>>
        %dma_wait3A_57 = tpu.memref_squeeze %dma_wait3A_56 : memref<1x16x128xf32, #tpu.memory_space<hbm>> -> memref<16x128xf32, #tpu.memory_space<hbm>>
        %dma_wait3A_58 = arith.constant 9984 : i32
        %dma_wait3A_59 = arith.constant 0 : i32
        %dma_wait3A_60 = tpu.memref_slice %arg10[%dma_wait3A_58, %dma_wait3A_59] : memref<10000x128xf32, #tpu.memory_space<vmem_shared>> -> memref<16x128xf32, #tpu.memory_space<vmem_shared>>
        tpu.wait_dma2 semaphore(%run_scoped3A : memref<!tpu.dma_semaphore, #tpu.memory_space<semaphore_mem>>) src(%dma_wait3A_60 : memref<16x128xf32, #tpu.memory_space<vmem_shared>>) dst(%dma_wait3A_57 : memref<16x128xf32, #tpu.memory_space<hbm>>)
        tpu.yield
      }) : () -> ()
    } else {
    }
    %mul3A_21 = arith.constant 2 : i32
    %mul3A_22 = arith.muli %arg0, %mul3A_21 : i32
    %add3A_23 = arith.constant 1 : i32
    %add3A_24 = arith.addi %mul3A_22, %add3A_23 : i32
    %mul3A_25 = arith.constant 624 : i32
    %mul3A_26 = arith.muli %arg1, %mul3A_25 : i32
    "tpu.region"() ({
      %run_scoped3A = tpu.sem_alloc : memref<!tpu.dma_semaphore, #tpu.memory_space<semaphore_mem>>
      %dma_start3A = arith.constant 0 : i32
      %dma_start3A_49 = tpu.memref_slice %arg10[%mul3A_26, %dma_start3A] : memref<10000x128xf32, #tpu.memory_space<vmem_shared>> -> memref<624x128xf32, #tpu.memory_space<vmem_shared>>
      %dma_start3A_50 = arith.constant 0 : i32
      %dma_start3A_51 = arith.constant 0 : i32
      %dma_start3A_52 = tpu.memref_slice %arg4[%dma_start3A_50, %dma_start3A_51] : memref<624x128xf32, #tpu.memory_space<hbm>> -> memref<624x128xf32, #tpu.memory_space<hbm>>
      tpu.enqueue_dma source(%dma_start3A_52 : memref<624x128xf32, #tpu.memory_space<hbm>>) target(%dma_start3A_49 : memref<624x128xf32, #tpu.memory_space<vmem_shared>>) target_semaphore(%run_scoped3A : memref<!tpu.dma_semaphore, #tpu.memory_space<semaphore_mem>>)
      %dma_wait3A = arith.constant 0 : i32
      %dma_wait3A_53 = tpu.memref_slice %arg10[%mul3A_26, %dma_wait3A] : memref<10000x128xf32, #tpu.memory_space<vmem_shared>> -> memref<624x128xf32, #tpu.memory_space<vmem_shared>>
      %dma_wait3A_54 = arith.constant 0 : i32
      %dma_wait3A_55 = arith.constant 0 : i32
      %dma_wait3A_56 = tpu.memref_slice %arg4[%dma_wait3A_54, %dma_wait3A_55] : memref<624x128xf32, #tpu.memory_space<hbm>> -> memref<624x128xf32, #tpu.memory_space<hbm>>
      tpu.wait_dma2 semaphore(%run_scoped3A : memref<!tpu.dma_semaphore, #tpu.memory_space<semaphore_mem>>) src(%dma_wait3A_56 : memref<624x128xf32, #tpu.memory_space<hbm>>) dst(%dma_wait3A_53 : memref<624x128xf32, #tpu.memory_space<vmem_shared>>)
      tpu.yield
    }) : () -> ()
    %eq3A_27 = arith.constant 0 : i32
    %eq3A_28 = arith.cmpi eq, %arg1, %eq3A_27 : i32
    %convert_element_type3A_29 = arith.extui %eq3A_28 : i1 to i32
    %cond3A_30 = arith.constant 0 : i32
    %cond3A_31 = arith.cmpi ne, %convert_element_type3A_29, %cond3A_30 : i32
    scf.if %cond3A_31 {
      "tpu.region"() ({
        %run_scoped3A = tpu.sem_alloc : memref<!tpu.dma_semaphore, #tpu.memory_space<semaphore_mem>>
        %dma_start3A = arith.constant 9984 : i32
        %dma_start3A_49 = arith.constant 0 : i32
        %dma_start3A_50 = tpu.memref_slice %arg10[%dma_start3A, %dma_start3A_49] : memref<10000x128xf32, #tpu.memory_space<vmem_shared>> -> memref<16x128xf32, #tpu.memory_space<vmem_shared>>
        %dma_start3A_51 = arith.constant 0 : i32
        %dma_start3A_52 = arith.constant 0 : i32
        %dma_start3A_53 = tpu.memref_slice %arg4[%dma_start3A_51, %dma_start3A_52] : memref<624x128xf32, #tpu.memory_space<hbm>> -> memref<16x128xf32, #tpu.memory_space<hbm>>
        tpu.enqueue_dma source(%dma_start3A_53 : memref<16x128xf32, #tpu.memory_space<hbm>>) target(%dma_start3A_50 : memref<16x128xf32, #tpu.memory_space<vmem_shared>>) target_semaphore(%run_scoped3A : memref<!tpu.dma_semaphore, #tpu.memory_space<semaphore_mem>>)
        %dma_wait3A = arith.constant 9984 : i32
        %dma_wait3A_54 = arith.constant 0 : i32
        %dma_wait3A_55 = tpu.memref_slice %arg10[%dma_wait3A, %dma_wait3A_54] : memref<10000x128xf32, #tpu.memory_space<vmem_shared>> -> memref<16x128xf32, #tpu.memory_space<vmem_shared>>
        %dma_wait3A_56 = arith.constant 0 : i32
        %dma_wait3A_57 = arith.constant 0 : i32
        %dma_wait3A_58 = tpu.memref_slice %arg4[%dma_wait3A_56, %dma_wait3A_57] : memref<624x128xf32, #tpu.memory_space<hbm>> -> memref<16x128xf32, #tpu.memory_space<hbm>>
        tpu.wait_dma2 semaphore(%run_scoped3A : memref<!tpu.dma_semaphore, #tpu.memory_space<semaphore_mem>>) src(%dma_wait3A_58 : memref<16x128xf32, #tpu.memory_space<hbm>>) dst(%dma_wait3A_55 : memref<16x128xf32, #tpu.memory_space<vmem_shared>>)
        tpu.yield
      }) : () -> ()
    } else {
    }
    %barrier3A_32 = arith.constant 0 : index
    tpu.barrier barrier_id(%barrier3A_32)
    %scan3A_33 = arith.constant 0 : i32
    %scan3A_34 = arith.constant 0 : i32
    %scan3A_35 = arith.constant 79 : i32
    %scan3A_36 = arith.addi %scan3A_34, %scan3A_35 : i32
    %scan3A_37 = arith.constant 1 : i32
    scf.for %scan3A_49 = %scan3A_34 to %scan3A_36 step %scan3A_37  : i32 {
      %mul3A_50 = arith.constant 16 : i32
      %mul3A_51 = arith.muli %mul3A_50, %scan3A_49 : i32
      %add3A_52 = arith.addi %arg1, %mul3A_51 : i32
      %lt3A = arith.constant 1250 : i32
      %lt3A_53 = arith.cmpi slt, %add3A_52, %lt3A : i32
      %convert_element_type3A_54 = arith.extui %lt3A_53 : i1 to i32
      %cond3A_55 = arith.constant 0 : i32
      %cond3A_56 = arith.cmpi ne, %convert_element_type3A_54, %cond3A_55 : i32
      scf.if %cond3A_56 {
        %mul3A_57 = arith.constant 128 : i32
        %mul3A_58 = arith.muli %add3A_52, %mul3A_57 : i32
        "tpu.region"() ({
          %run_scoped3A = tpu.sem_alloc : memref<!tpu.dma_semaphore, #tpu.memory_space<semaphore_mem>>
          %dma_start3A = tpu.memref_slice %arg3[%mul3A_58] : memref<160000xi32, #tpu.memory_space<hbm>> -> memref<128xi32, #tpu.memory_space<hbm>>
          %dma_start3A_62 = tpu.memref_slice %arg3[%mul3A_58] : memref<160000xi32, #tpu.memory_space<hbm>> -> memref<128xi32, #tpu.memory_space<hbm>>
          tpu.enqueue_dma source(%dma_start3A_62 : memref<128xi32, #tpu.memory_space<hbm>>) target(%arg6 : memref<128xi32, #tpu.memory_space<vmem>>) target_semaphore(%run_scoped3A : memref<!tpu.dma_semaphore, #tpu.memory_space<semaphore_mem>>)
          %dma_wait3A = tpu.memref_slice %arg3[%mul3A_58] : memref<160000xi32, #tpu.memory_space<hbm>> -> memref<128xi32, #tpu.memory_space<hbm>>
          %dma_wait3A_63 = tpu.memref_slice %arg3[%mul3A_58] : memref<160000xi32, #tpu.memory_space<hbm>> -> memref<128xi32, #tpu.memory_space<hbm>>
          tpu.wait_dma2 semaphore(%run_scoped3A : memref<!tpu.dma_semaphore, #tpu.memory_space<semaphore_mem>>) src(%dma_wait3A_63 : memref<128xi32, #tpu.memory_space<hbm>>) dst(%arg6 : memref<128xi32, #tpu.memory_space<vmem>>)
          tpu.yield
        }) : () -> ()
        %mul3A_59 = arith.constant 160000 : i32
        %mul3A_60 = arith.muli %add3A_24, %mul3A_59 : i32
        %add3A_61 = arith.addi %mul3A_60, %mul3A_58 : i32
        "tpu.region"() ({
          %run_scoped3A = tpu.sem_alloc : memref<!tpu.dma_semaphore, #tpu.memory_space<semaphore_mem>>
          %dma_start3A = arith.constant 0 : i32
          %dma_start3A_62 = tpu.memref_slice %arg2[%add3A_61, %dma_start3A] : memref<640000x128xf32, #tpu.memory_space<hbm>> -> memref<128x128xf32, #tpu.memory_space<hbm>>
          %dma_start3A_63 = arith.constant 0 : i32
          %dma_start3A_64 = tpu.memref_slice %arg2[%add3A_61, %dma_start3A_63] : memref<640000x128xf32, #tpu.memory_space<hbm>> -> memref<128x128xf32, #tpu.memory_space<hbm>>
          tpu.enqueue_dma source(%dma_start3A_64 : memref<128x128xf32, #tpu.memory_space<hbm>>) target(%arg8 : memref<128x128xf32, #tpu.memory_space<vmem>>) target_semaphore(%run_scoped3A : memref<!tpu.dma_semaphore, #tpu.memory_space<semaphore_mem>>)
          %dma_wait3A = arith.constant 0 : i32
          %dma_wait3A_65 = tpu.memref_slice %arg2[%add3A_61, %dma_wait3A] : memref<640000x128xf32, #tpu.memory_space<hbm>> -> memref<128x128xf32, #tpu.memory_space<hbm>>
          %dma_wait3A_66 = arith.constant 0 : i32
          %dma_wait3A_67 = tpu.memref_slice %arg2[%add3A_61, %dma_wait3A_66] : memref<640000x128xf32, #tpu.memory_space<hbm>> -> memref<128x128xf32, #tpu.memory_space<hbm>>
          tpu.wait_dma2 semaphore(%run_scoped3A : memref<!tpu.dma_semaphore, #tpu.memory_space<semaphore_mem>>) src(%dma_wait3A_67 : memref<128x128xf32, #tpu.memory_space<hbm>>) dst(%arg8 : memref<128x128xf32, #tpu.memory_space<vmem>>)
          tpu.yield
        }) : () -> ()
        "tpu.region"() ({
          %run_scoped3A = tpu.sem_alloc : memref<!tpu.dma_semaphore, #tpu.memory_space<semaphore_mem>>
          %dma_start3A = arith.constant 0 : i32
          %dma_start3A_62 = arith.constant 0 : i32
          %dma_start3A_63 = tpu.memref_slice %arg10[%dma_start3A, %dma_start3A_62] : memref<10000x128xf32, #tpu.memory_space<vmem_shared>> -> memref<10000x128xf32, #tpu.memory_space<vmem_shared>>
          tpu.enqueue_indirect_dma source(%arg8 : memref<128x128xf32, #tpu.memory_space<vmem>>) target(%dma_start3A_63 : memref<10000x128xf32, #tpu.memory_space<vmem_shared>>) offsets(%arg6 : memref<128xi32, #tpu.memory_space<vmem>>) semaphore(%run_scoped3A : memref<!tpu.dma_semaphore, #tpu.memory_space<semaphore_mem>>) {add = true}
          %dma_wait3A = arith.constant 0 : i32
          %dma_wait3A_64 = arith.constant 0 : i32
          %dma_wait3A_65 = tpu.memref_slice %arg10[%dma_wait3A, %dma_wait3A_64] : memref<10000x128xf32, #tpu.memory_space<vmem_shared>> -> memref<10000x128xf32, #tpu.memory_space<vmem_shared>>
          tpu.wait_indirect_dma semaphore(%run_scoped3A : memref<!tpu.dma_semaphore, #tpu.memory_space<semaphore_mem>>) src(%arg8 : memref<128x128xf32, #tpu.memory_space<vmem>>) dst(%dma_wait3A_65 : memref<10000x128xf32, #tpu.memory_space<vmem_shared>>)
          tpu.yield
        }) : () -> ()
      } else {
      }
    }
    %scan3A_38 = arith.constant 79 : i32
    %barrier3A_39 = arith.constant 0 : index
    tpu.barrier barrier_id(%barrier3A_39)
    %mul3A_40 = arith.constant 624 : i32
    %mul3A_41 = arith.muli %arg1, %mul3A_40 : i32
    %mul3A_42 = arith.constant 624 : i32
    %mul3A_43 = arith.muli %arg1, %mul3A_42 : i32
    "tpu.region"() ({
      %run_scoped3A = tpu.sem_alloc : memref<!tpu.dma_semaphore, #tpu.memory_space<semaphore_mem>>
      %dma_start3A = arith.constant 0 : i32
      %dma_start3A_49 = tpu.memref_slice %arg5[%add3A_24, %mul3A_43, %dma_start3A] : memref<4x10000x128xf32, #tpu.memory_space<hbm>> -> memref<1x624x128xf32, #tpu.memory_space<hbm>>
      %dma_start3A_50 = tpu.memref_squeeze %dma_start3A_49 : memref<1x624x128xf32, #tpu.memory_space<hbm>> -> memref<624x128xf32, #tpu.memory_space<hbm>>
      %dma_start3A_51 = arith.constant 0 : i32
      %dma_start3A_52 = tpu.memref_slice %arg10[%mul3A_41, %dma_start3A_51] : memref<10000x128xf32, #tpu.memory_space<vmem_shared>> -> memref<624x128xf32, #tpu.memory_space<vmem_shared>>
      tpu.enqueue_dma source(%dma_start3A_52 : memref<624x128xf32, #tpu.memory_space<vmem_shared>>) target(%dma_start3A_50 : memref<624x128xf32, #tpu.memory_space<hbm>>) target_semaphore(%run_scoped3A : memref<!tpu.dma_semaphore, #tpu.memory_space<semaphore_mem>>)
      %dma_wait3A = arith.constant 0 : i32
      %dma_wait3A_53 = tpu.memref_slice %arg5[%add3A_24, %mul3A_43, %dma_wait3A] : memref<4x10000x128xf32, #tpu.memory_space<hbm>> -> memref<1x624x128xf32, #tpu.memory_space<hbm>>
      %dma_wait3A_54 = tpu.memref_squeeze %dma_wait3A_53 : memref<1x624x128xf32, #tpu.memory_space<hbm>> -> memref<624x128xf32, #tpu.memory_space<hbm>>
      %dma_wait3A_55 = arith.constant 0 : i32
      %dma_wait3A_56 = tpu.memref_slice %arg10[%mul3A_41, %dma_wait3A_55] : memref<10000x128xf32, #tpu.memory_space<vmem_shared>> -> memref<624x128xf32, #tpu.memory_space<vmem_shared>>
      tpu.wait_dma2 semaphore(%run_scoped3A : memref<!tpu.dma_semaphore, #tpu.memory_space<semaphore_mem>>) src(%dma_wait3A_56 : memref<624x128xf32, #tpu.memory_space<vmem_shared>>) dst(%dma_wait3A_54 : memref<624x128xf32, #tpu.memory_space<hbm>>)
      tpu.yield
    }) : () -> ()
    %eq3A_44 = arith.constant 0 : i32
    %eq3A_45 = arith.cmpi eq, %arg1, %eq3A_44 : i32
    %convert_element_type3A_46 = arith.extui %eq3A_45 : i1 to i32
    %cond3A_47 = arith.constant 0 : i32
    %cond3A_48 = arith.cmpi ne, %convert_element_type3A_46, %cond3A_47 : i32
    scf.if %cond3A_48 {
      "tpu.region"() ({
        %run_scoped3A = tpu.sem_alloc : memref<!tpu.dma_semaphore, #tpu.memory_space<semaphore_mem>>
        %dma_start3A = arith.constant 9984 : i32
        %dma_start3A_49 = arith.constant 0 : i32
        %dma_start3A_50 = tpu.memref_slice %arg5[%add3A_24, %dma_start3A, %dma_start3A_49] : memref<4x10000x128xf32, #tpu.memory_space<hbm>> -> memref<1x16x128xf32, #tpu.memory_space<hbm>>
        %dma_start3A_51 = tpu.memref_squeeze %dma_start3A_50 : memref<1x16x128xf32, #tpu.memory_space<hbm>> -> memref<16x128xf32, #tpu.memory_space<hbm>>
        %dma_start3A_52 = arith.constant 9984 : i32
        %dma_start3A_53 = arith.constant 0 : i32
        %dma_start3A_54 = tpu.memref_slice %arg10[%dma_start3A_52, %dma_start3A_53] : memref<10000x128xf32, #tpu.memory_space<vmem_shared>> -> memref<16x128xf32, #tpu.memory_space<vmem_shared>>
        tpu.enqueue_dma source(%dma_start3A_54 : memref<16x128xf32, #tpu.memory_space<vmem_shared>>) target(%dma_start3A_51 : memref<16x128xf32, #tpu.memory_space<hbm>>) target_semaphore(%run_scoped3A : memref<!tpu.dma_semaphore, #tpu.memory_space<semaphore_mem>>)
        %dma_wait3A = arith.constant 9984 : i32
        %dma_wait3A_55 = arith.constant 0 : i32
        %dma_wait3A_56 = tpu.memref_slice %arg5[%add3A_24, %dma_wait3A, %dma_wait3A_55] : memref<4x10000x128xf32, #tpu.memory_space<hbm>> -> memref<1x16x128xf32, #tpu.memory_space<hbm>>
        %dma_wait3A_57 = tpu.memref_squeeze %dma_wait3A_56 : memref<1x16x128xf32, #tpu.memory_space<hbm>> -> memref<16x128xf32, #tpu.memory_space<hbm>>
        %dma_wait3A_58 = arith.constant 9984 : i32
        %dma_wait3A_59 = arith.constant 0 : i32
        %dma_wait3A_60 = tpu.memref_slice %arg10[%dma_wait3A_58, %dma_wait3A_59] : memref<10000x128xf32, #tpu.memory_space<vmem_shared>> -> memref<16x128xf32, #tpu.memory_space<vmem_shared>>
        tpu.wait_dma2 semaphore(%run_scoped3A : memref<!tpu.dma_semaphore, #tpu.memory_space<semaphore_mem>>) src(%dma_wait3A_60 : memref<16x128xf32, #tpu.memory_space<vmem_shared>>) dst(%dma_wait3A_57 : memref<16x128xf32, #tpu.memory_space<hbm>>)
        tpu.yield
      }) : () -> ()
    } else {
    }
    return
  }
}

#map = affine_map<(d0, d1) -> (0, 0)>
#map1 = affine_map<(d0, d1) -> (0)>
module attributes {stable_mosaic.version = 14 : i64} {
  func.func @_gather_body(%arg0: i32, %arg1: i32, %arg2: memref<10000x256xi32, #tpu.memory_space<hbm>>, %arg3: memref<10000x256xi32, #tpu.memory_space<hbm>>, %arg4: memref<160000xi32, #tpu.memory_space<hbm>>, %arg5: memref<160000xi32, #tpu.memory_space<hbm>>, %arg6: memref<10000xf32, #tpu.memory_space<hbm>>, %arg7: memref<10000xf32, #tpu.memory_space<hbm>>, %arg8: memref<10000xf32, #tpu.memory_space<hbm>>, %arg9: memref<160000x256xi32, #tpu.memory_space<hbm>>, %arg10: memref<160000x256xi32, #tpu.memory_space<hbm>>, %arg11: memref<160000xf32, #tpu.memory_space<hbm>>, %arg12: memref<40xi32, #tpu.memory_space<vmem>>, %arg13: memref<40xi32, #tpu.memory_space<vmem>>, %arg14: memref<40xi32, #tpu.memory_space<vmem>>, %arg15: memref<40xi32, #tpu.memory_space<vmem>>, %arg16: memref<40x256xi32, #tpu.memory_space<vmem>>, %arg17: memref<40x256xi32, #tpu.memory_space<vmem>>, %arg18: memref<40x256xi32, #tpu.memory_space<vmem>>, %arg19: memref<40x256xi32, #tpu.memory_space<vmem>>, %arg20: memref<10000xf32, #tpu.memory_space<vmem>>, %arg21: memref<10000xf32, #tpu.memory_space<vmem>>, %arg22: memref<10000xf32, #tpu.memory_space<vmem>>, %arg23: memref<40xf32, #tpu.memory_space<vmem>>, %arg24: memref<!tpu.dma_semaphore, #tpu.memory_space<semaphore_mem>>, %arg25: memref<!tpu.dma_semaphore, #tpu.memory_space<semaphore_mem>>, %arg26: memref<!tpu.dma_semaphore, #tpu.memory_space<semaphore_mem>>, %arg27: memref<!tpu.dma_semaphore, #tpu.memory_space<semaphore_mem>>, %arg28: memref<!tpu.dma_semaphore, #tpu.memory_space<semaphore_mem>>, %arg29: memref<!tpu.dma_semaphore, #tpu.memory_space<semaphore_mem>>, %arg30: memref<!tpu.dma_semaphore, #tpu.memory_space<semaphore_mem>>, %arg31: memref<!tpu.dma_semaphore, #tpu.memory_space<semaphore_mem>>) attributes {dimension_semantics = [#tpu.dimension_semantics<core_parallel>, #tpu.dimension_semantics<subcore_parallel>], iteration_bounds = array<i64: 2, 16>, scalar_prefetch = 0 : i64, scratch_operands = 20 : i64, tpu.core_type = #tpu.core_type<sc_vector_subcore>, window_params = [{transform_indices = #map}, {transform_indices = #map}, {transform_indices = #map1}, {transform_indices = #map1}, {transform_indices = #map1}, {transform_indices = #map1}, {transform_indices = #map1}, {transform_indices = #map}, {transform_indices = #map}, {transform_indices = #map1}]} {
    %mul3A = arith.constant 2 : i32
    %mul3A_0 = arith.muli %arg1, %mul3A : i32
    %add3A = arith.addi %mul3A_0, %arg0 : i32
    "tpu.region"() ({
      %run_scoped3A = tpu.sem_alloc : memref<!tpu.dma_semaphore, #tpu.memory_space<semaphore_mem>>
      tpu.enqueue_dma source(%arg6 : memref<10000xf32, #tpu.memory_space<hbm>>) target(%arg20 : memref<10000xf32, #tpu.memory_space<vmem>>) target_semaphore(%run_scoped3A : memref<!tpu.dma_semaphore, #tpu.memory_space<semaphore_mem>>)
      tpu.wait_dma2 semaphore(%run_scoped3A : memref<!tpu.dma_semaphore, #tpu.memory_space<semaphore_mem>>) src(%arg6 : memref<10000xf32, #tpu.memory_space<hbm>>) dst(%arg20 : memref<10000xf32, #tpu.memory_space<vmem>>)
      tpu.yield
    }) : () -> ()
    "tpu.region"() ({
      %run_scoped3A = tpu.sem_alloc : memref<!tpu.dma_semaphore, #tpu.memory_space<semaphore_mem>>
      tpu.enqueue_dma source(%arg7 : memref<10000xf32, #tpu.memory_space<hbm>>) target(%arg21 : memref<10000xf32, #tpu.memory_space<vmem>>) target_semaphore(%run_scoped3A : memref<!tpu.dma_semaphore, #tpu.memory_space<semaphore_mem>>)
      tpu.wait_dma2 semaphore(%run_scoped3A : memref<!tpu.dma_semaphore, #tpu.memory_space<semaphore_mem>>) src(%arg7 : memref<10000xf32, #tpu.memory_space<hbm>>) dst(%arg21 : memref<10000xf32, #tpu.memory_space<vmem>>)
      tpu.yield
    }) : () -> ()
    "tpu.region"() ({
      %run_scoped3A = tpu.sem_alloc : memref<!tpu.dma_semaphore, #tpu.memory_space<semaphore_mem>>
      tpu.enqueue_dma source(%arg8 : memref<10000xf32, #tpu.memory_space<hbm>>) target(%arg22 : memref<10000xf32, #tpu.memory_space<vmem>>) target_semaphore(%run_scoped3A : memref<!tpu.dma_semaphore, #tpu.memory_space<semaphore_mem>>)
      tpu.wait_dma2 semaphore(%run_scoped3A : memref<!tpu.dma_semaphore, #tpu.memory_space<semaphore_mem>>) src(%arg8 : memref<10000xf32, #tpu.memory_space<hbm>>) dst(%arg22 : memref<10000xf32, #tpu.memory_space<vmem>>)
      tpu.yield
    }) : () -> ()
    %scan3A = arith.constant 0 : i32
    %scan3A_1 = arith.constant 0 : i32
    %scan3A_2 = arith.constant 62 : i32
    %scan3A_3 = arith.addi %scan3A_1, %scan3A_2 : i32
    %scan3A_4 = arith.constant 1 : i32
    scf.for %scan3A_124 = %scan3A_1 to %scan3A_3 step %scan3A_4  : i32 {
      %gt3A = arith.constant 0 : i32
      %gt3A_125 = arith.cmpi sgt, %scan3A_124, %gt3A : i32
      %convert_element_type3A = arith.extui %gt3A_125 : i1 to i32
      %cond3A = arith.constant 0 : i32
      %cond3A_126 = arith.cmpi ne, %convert_element_type3A, %cond3A : i32
      scf.if %cond3A_126 {
        %dma_wait3A_318 = arith.constant 0 : i32
        %dma_wait3A_319 = arith.constant 0 : i32
        %dma_wait3A_320 = tpu.memref_slice %arg9[%dma_wait3A_318, %dma_wait3A_319] : memref<160000x256xi32, #tpu.memory_space<hbm>> -> memref<40x256xi32, #tpu.memory_space<hbm>>
        %dma_wait3A_321 = arith.constant 0 : i32
        %dma_wait3A_322 = arith.constant 0 : i32
        %dma_wait3A_323 = tpu.memref_slice %arg9[%dma_wait3A_321, %dma_wait3A_322] : memref<160000x256xi32, #tpu.memory_space<hbm>> -> memref<40x256xi32, #tpu.memory_space<hbm>>
        tpu.wait_dma2 semaphore(%arg28 : memref<!tpu.dma_semaphore, #tpu.memory_space<semaphore_mem>>) src(%arg16 : memref<40x256xi32, #tpu.memory_space<vmem>>) dst(%dma_wait3A_323 : memref<40x256xi32, #tpu.memory_space<hbm>>)
        %dma_wait3A_324 = arith.constant 0 : i32
        %dma_wait3A_325 = arith.constant 0 : i32
        %dma_wait3A_326 = tpu.memref_slice %arg10[%dma_wait3A_324, %dma_wait3A_325] : memref<160000x256xi32, #tpu.memory_space<hbm>> -> memref<40x256xi32, #tpu.memory_space<hbm>>
        %dma_wait3A_327 = arith.constant 0 : i32
        %dma_wait3A_328 = arith.constant 0 : i32
        %dma_wait3A_329 = tpu.memref_slice %arg10[%dma_wait3A_327, %dma_wait3A_328] : memref<160000x256xi32, #tpu.memory_space<hbm>> -> memref<40x256xi32, #tpu.memory_space<hbm>>
        tpu.wait_dma2 semaphore(%arg29 : memref<!tpu.dma_semaphore, #tpu.memory_space<semaphore_mem>>) src(%arg18 : memref<40x256xi32, #tpu.memory_space<vmem>>) dst(%dma_wait3A_329 : memref<40x256xi32, #tpu.memory_space<hbm>>)
      } else {
      }
      %mul3A_127 = arith.constant 2 : i32
      %mul3A_128 = arith.muli %mul3A_127, %scan3A_124 : i32
      %mul3A_129 = arith.constant 32 : i32
      %mul3A_130 = arith.muli %mul3A_129, %mul3A_128 : i32
      %add3A_131 = arith.addi %add3A, %mul3A_130 : i32
      %mul3A_132 = arith.constant 40 : i32
      %mul3A_133 = arith.muli %add3A_131, %mul3A_132 : i32
      "tpu.region"() ({
        %run_scoped3A = tpu.sem_alloc : memref<!tpu.dma_semaphore, #tpu.memory_space<semaphore_mem>>
        %dma_start3A_318 = tpu.memref_slice %arg4[%mul3A_133] : memref<160000xi32, #tpu.memory_space<hbm>> -> memref<40xi32, #tpu.memory_space<hbm>>
        %dma_start3A_319 = tpu.memref_slice %arg4[%mul3A_133] : memref<160000xi32, #tpu.memory_space<hbm>> -> memref<40xi32, #tpu.memory_space<hbm>>
        tpu.enqueue_dma source(%dma_start3A_319 : memref<40xi32, #tpu.memory_space<hbm>>) target(%arg12 : memref<40xi32, #tpu.memory_space<vmem>>) target_semaphore(%run_scoped3A : memref<!tpu.dma_semaphore, #tpu.memory_space<semaphore_mem>>)
        %dma_wait3A_320 = tpu.memref_slice %arg4[%mul3A_133] : memref<160000xi32, #tpu.memory_space<hbm>> -> memref<40xi32, #tpu.memory_space<hbm>>
        %dma_wait3A_321 = tpu.memref_slice %arg4[%mul3A_133] : memref<160000xi32, #tpu.memory_space<hbm>> -> memref<40xi32, #tpu.memory_space<hbm>>
        tpu.wait_dma2 semaphore(%run_scoped3A : memref<!tpu.dma_semaphore, #tpu.memory_space<semaphore_mem>>) src(%dma_wait3A_321 : memref<40xi32, #tpu.memory_space<hbm>>) dst(%arg12 : memref<40xi32, #tpu.memory_space<vmem>>)
        tpu.yield
      }) : () -> ()
      "tpu.region"() ({
        %run_scoped3A = tpu.sem_alloc : memref<!tpu.dma_semaphore, #tpu.memory_space<semaphore_mem>>
        %dma_start3A_318 = tpu.memref_slice %arg5[%mul3A_133] : memref<160000xi32, #tpu.memory_space<hbm>> -> memref<40xi32, #tpu.memory_space<hbm>>
        %dma_start3A_319 = tpu.memref_slice %arg5[%mul3A_133] : memref<160000xi32, #tpu.memory_space<hbm>> -> memref<40xi32, #tpu.memory_space<hbm>>
        tpu.enqueue_dma source(%dma_start3A_319 : memref<40xi32, #tpu.memory_space<hbm>>) target(%arg14 : memref<40xi32, #tpu.memory_space<vmem>>) target_semaphore(%run_scoped3A : memref<!tpu.dma_semaphore, #tpu.memory_space<semaphore_mem>>)
        %dma_wait3A_320 = tpu.memref_slice %arg5[%mul3A_133] : memref<160000xi32, #tpu.memory_space<hbm>> -> memref<40xi32, #tpu.memory_space<hbm>>
        %dma_wait3A_321 = tpu.memref_slice %arg5[%mul3A_133] : memref<160000xi32, #tpu.memory_space<hbm>> -> memref<40xi32, #tpu.memory_space<hbm>>
        tpu.wait_dma2 semaphore(%run_scoped3A : memref<!tpu.dma_semaphore, #tpu.memory_space<semaphore_mem>>) src(%dma_wait3A_321 : memref<40xi32, #tpu.memory_space<hbm>>) dst(%arg14 : memref<40xi32, #tpu.memory_space<vmem>>)
        tpu.yield
      }) : () -> ()
      %dma_start3A_134 = arith.constant 0 : i32
      %dma_start3A_135 = arith.constant 0 : i32
      %dma_start3A_136 = tpu.memref_slice %arg2[%dma_start3A_134, %dma_start3A_135] : memref<10000x256xi32, #tpu.memory_space<hbm>> -> memref<10000x256xi32, #tpu.memory_space<hbm>>
      tpu.enqueue_indirect_dma source(%dma_start3A_136 : memref<10000x256xi32, #tpu.memory_space<hbm>>) target(%arg16 : memref<40x256xi32, #tpu.memory_space<vmem>>) offsets(%arg12 : memref<40xi32, #tpu.memory_space<vmem>>) semaphore(%arg24 : memref<!tpu.dma_semaphore, #tpu.memory_space<semaphore_mem>>)
      %dma_start3A_137 = arith.constant 0 : i32
      %dma_start3A_138 = arith.constant 0 : i32
      %dma_start3A_139 = tpu.memref_slice %arg3[%dma_start3A_137, %dma_start3A_138] : memref<10000x256xi32, #tpu.memory_space<hbm>> -> memref<10000x256xi32, #tpu.memory_space<hbm>>
      tpu.enqueue_indirect_dma source(%dma_start3A_139 : memref<10000x256xi32, #tpu.memory_space<hbm>>) target(%arg18 : memref<40x256xi32, #tpu.memory_space<vmem>>) offsets(%arg14 : memref<40xi32, #tpu.memory_space<vmem>>) semaphore(%arg25 : memref<!tpu.dma_semaphore, #tpu.memory_space<semaphore_mem>>)
      %mul3A_140 = arith.constant 32 : i32
      %mul3A_141 = arith.muli %mul3A_140, %mul3A_128 : i32
      %add3A_142 = arith.addi %add3A, %mul3A_141 : i32
      %mul3A_143 = arith.constant 40 : i32
      %mul3A_144 = arith.muli %add3A_142, %mul3A_143 : i32
      %get3A_145 = arith.constant 0 : index
      %get3A_146 = tpu.vector_load %arg12[%get3A_145] {strides = array<i32>} : memref<40xi32, #tpu.memory_space<vmem>>, vector<16xi32>,
      %get3A_147 = arith.constant 0 : index
      %get3A_148 = tpu.vector_load %arg14[%get3A_147] {strides = array<i32>} : memref<40xi32, #tpu.memory_space<vmem>>, vector<16xi32>,
      %gather3A_149 = tpu.vector_load_idx %arg20[%get3A_146] : memref<10000xf32, #tpu.memory_space<vmem>>[vector<16xi32>], vector<16xf32>,
      %gather3A_150 = tpu.vector_load_idx %arg20[%get3A_148] : memref<10000xf32, #tpu.memory_space<vmem>>[vector<16xi32>], vector<16xf32>,
      %sub3A_151 = arith.subf %gather3A_149, %gather3A_150 : vector<16xf32>
      %gather3A_152 = tpu.vector_load_idx %arg21[%get3A_146] : memref<10000xf32, #tpu.memory_space<vmem>>[vector<16xi32>], vector<16xf32>,
      %gather3A_153 = tpu.vector_load_idx %arg21[%get3A_148] : memref<10000xf32, #tpu.memory_space<vmem>>[vector<16xi32>], vector<16xf32>,
      %sub3A_154 = arith.subf %gather3A_152, %gather3A_153 : vector<16xf32>
      %gather3A_155 = tpu.vector_load_idx %arg22[%get3A_146] : memref<10000xf32, #tpu.memory_space<vmem>>[vector<16xi32>], vector<16xf32>,
      %gather3A_156 = tpu.vector_load_idx %arg22[%get3A_148] : memref<10000xf32, #tpu.memory_space<vmem>>[vector<16xi32>], vector<16xf32>,
      %sub3A_157 = arith.subf %gather3A_155, %gather3A_156 : vector<16xf32>
      %mul3A_158 = arith.mulf %sub3A_151, %sub3A_151 : vector<16xf32>
      %mul3A_159 = arith.mulf %sub3A_154, %sub3A_154 : vector<16xf32>
      %add3A_160 = arith.addf %mul3A_158, %mul3A_159 : vector<16xf32>
      %mul3A_161 = arith.mulf %sub3A_157, %sub3A_157 : vector<16xf32>
      %add3A_162 = arith.addf %add3A_160, %mul3A_161 : vector<16xf32>
      %swap3A_163 = arith.constant 0 : index
      %swap3A_164 = tpu.vector_load %arg23[%swap3A_163] {strides = array<i32>} : memref<40xf32, #tpu.memory_space<vmem>>, vector<16xf32>,
      tpu.vector_store %arg23[%swap3A_163], %add3A_162 {strides = array<i32>} : memref<40xf32, #tpu.memory_space<vmem>>, vector<16xf32>,
      %get3A_165 = arith.constant 16 : index
      %get3A_166 = tpu.vector_load %arg12[%get3A_165] {strides = array<i32>} : memref<40xi32, #tpu.memory_space<vmem>>, vector<16xi32>,
      %get3A_167 = arith.constant 16 : index
      %get3A_168 = tpu.vector_load %arg14[%get3A_167] {strides = array<i32>} : memref<40xi32, #tpu.memory_space<vmem>>, vector<16xi32>,
      %gather3A_169 = tpu.vector_load_idx %arg20[%get3A_166] : memref<10000xf32, #tpu.memory_space<vmem>>[vector<16xi32>], vector<16xf32>,
      %gather3A_170 = tpu.vector_load_idx %arg20[%get3A_168] : memref<10000xf32, #tpu.memory_space<vmem>>[vector<16xi32>], vector<16xf32>,
      %sub3A_171 = arith.subf %gather3A_169, %gather3A_170 : vector<16xf32>
      %gather3A_172 = tpu.vector_load_idx %arg21[%get3A_166] : memref<10000xf32, #tpu.memory_space<vmem>>[vector<16xi32>], vector<16xf32>,
      %gather3A_173 = tpu.vector_load_idx %arg21[%get3A_168] : memref<10000xf32, #tpu.memory_space<vmem>>[vector<16xi32>], vector<16xf32>,
      %sub3A_174 = arith.subf %gather3A_172, %gather3A_173 : vector<16xf32>
      %gather3A_175 = tpu.vector_load_idx %arg22[%get3A_166] : memref<10000xf32, #tpu.memory_space<vmem>>[vector<16xi32>], vector<16xf32>,
      %gather3A_176 = tpu.vector_load_idx %arg22[%get3A_168] : memref<10000xf32, #tpu.memory_space<vmem>>[vector<16xi32>], vector<16xf32>,
      %sub3A_177 = arith.subf %gather3A_175, %gather3A_176 : vector<16xf32>
      %mul3A_178 = arith.mulf %sub3A_171, %sub3A_171 : vector<16xf32>
      %mul3A_179 = arith.mulf %sub3A_174, %sub3A_174 : vector<16xf32>
      %add3A_180 = arith.addf %mul3A_178, %mul3A_179 : vector<16xf32>
      %mul3A_181 = arith.mulf %sub3A_177, %sub3A_177 : vector<16xf32>
      %add3A_182 = arith.addf %add3A_180, %mul3A_181 : vector<16xf32>
      %swap3A_183 = arith.constant 16 : index
      %swap3A_184 = tpu.vector_load %arg23[%swap3A_183] {strides = array<i32>} : memref<40xf32, #tpu.memory_space<vmem>>, vector<16xf32>,
      tpu.vector_store %arg23[%swap3A_183], %add3A_182 {strides = array<i32>} : memref<40xf32, #tpu.memory_space<vmem>>, vector<16xf32>,
      %get3A_185 = arith.constant 24 : index
      %get3A_186 = tpu.vector_load %arg12[%get3A_185] {strides = array<i32>} : memref<40xi32, #tpu.memory_space<vmem>>, vector<16xi32>,
      %get3A_187 = arith.constant 24 : index
      %get3A_188 = tpu.vector_load %arg14[%get3A_187] {strides = array<i32>} : memref<40xi32, #tpu.memory_space<vmem>>, vector<16xi32>,
      %gather3A_189 = tpu.vector_load_idx %arg20[%get3A_186] : memref<10000xf32, #tpu.memory_space<vmem>>[vector<16xi32>], vector<16xf32>,
      %gather3A_190 = tpu.vector_load_idx %arg20[%get3A_188] : memref<10000xf32, #tpu.memory_space<vmem>>[vector<16xi32>], vector<16xf32>,
      %sub3A_191 = arith.subf %gather3A_189, %gather3A_190 : vector<16xf32>
      %gather3A_192 = tpu.vector_load_idx %arg21[%get3A_186] : memref<10000xf32, #tpu.memory_space<vmem>>[vector<16xi32>], vector<16xf32>,
      %gather3A_193 = tpu.vector_load_idx %arg21[%get3A_188] : memref<10000xf32, #tpu.memory_space<vmem>>[vector<16xi32>], vector<16xf32>,
      %sub3A_194 = arith.subf %gather3A_192, %gather3A_193 : vector<16xf32>
      %gather3A_195 = tpu.vector_load_idx %arg22[%get3A_186] : memref<10000xf32, #tpu.memory_space<vmem>>[vector<16xi32>], vector<16xf32>,
      %gather3A_196 = tpu.vector_load_idx %arg22[%get3A_188] : memref<10000xf32, #tpu.memory_space<vmem>>[vector<16xi32>], vector<16xf32>,
      %sub3A_197 = arith.subf %gather3A_195, %gather3A_196 : vector<16xf32>
      %mul3A_198 = arith.mulf %sub3A_191, %sub3A_191 : vector<16xf32>
      %mul3A_199 = arith.mulf %sub3A_194, %sub3A_194 : vector<16xf32>
      %add3A_200 = arith.addf %mul3A_198, %mul3A_199 : vector<16xf32>
      %mul3A_201 = arith.mulf %sub3A_197, %sub3A_197 : vector<16xf32>
      %add3A_202 = arith.addf %add3A_200, %mul3A_201 : vector<16xf32>
      %swap3A_203 = arith.constant 24 : index
      %swap3A_204 = tpu.vector_load %arg23[%swap3A_203] {strides = array<i32>} : memref<40xf32, #tpu.memory_space<vmem>>, vector<16xf32>,
      tpu.vector_store %arg23[%swap3A_203], %add3A_202 {strides = array<i32>} : memref<40xf32, #tpu.memory_space<vmem>>, vector<16xf32>,
      "tpu.region"() ({
        %run_scoped3A = tpu.sem_alloc : memref<!tpu.dma_semaphore, #tpu.memory_space<semaphore_mem>>
        %dma_start3A_318 = tpu.memref_slice %arg11[%mul3A_144] : memref<160000xf32, #tpu.memory_space<hbm>> -> memref<40xf32, #tpu.memory_space<hbm>>
        %dma_start3A_319 = tpu.memref_slice %arg11[%mul3A_144] : memref<160000xf32, #tpu.memory_space<hbm>> -> memref<40xf32, #tpu.memory_space<hbm>>
        tpu.enqueue_dma source(%arg23 : memref<40xf32, #tpu.memory_space<vmem>>) target(%dma_start3A_319 : memref<40xf32, #tpu.memory_space<hbm>>) target_semaphore(%run_scoped3A : memref<!tpu.dma_semaphore, #tpu.memory_space<semaphore_mem>>)
        %dma_wait3A_320 = tpu.memref_slice %arg11[%mul3A_144] : memref<160000xf32, #tpu.memory_space<hbm>> -> memref<40xf32, #tpu.memory_space<hbm>>
        %dma_wait3A_321 = tpu.memref_slice %arg11[%mul3A_144] : memref<160000xf32, #tpu.memory_space<hbm>> -> memref<40xf32, #tpu.memory_space<hbm>>
        tpu.wait_dma2 semaphore(%run_scoped3A : memref<!tpu.dma_semaphore, #tpu.memory_space<semaphore_mem>>) src(%arg23 : memref<40xf32, #tpu.memory_space<vmem>>) dst(%dma_wait3A_321 : memref<40xf32, #tpu.memory_space<hbm>>)
        tpu.yield
      }) : () -> ()
      %dma_wait3A_205 = arith.constant 0 : i32
      %dma_wait3A_206 = arith.constant 0 : i32
      %dma_wait3A_207 = tpu.memref_slice %arg2[%dma_wait3A_205, %dma_wait3A_206] : memref<10000x256xi32, #tpu.memory_space<hbm>> -> memref<10000x256xi32, #tpu.memory_space<hbm>>
      tpu.wait_indirect_dma semaphore(%arg24 : memref<!tpu.dma_semaphore, #tpu.memory_space<semaphore_mem>>) src(%dma_wait3A_207 : memref<10000x256xi32, #tpu.memory_space<hbm>>) dst(%arg16 : memref<40x256xi32, #tpu.memory_space<vmem>>)
      %dma_start3A_208 = arith.constant 0 : i32
      %dma_start3A_209 = tpu.memref_slice %arg9[%mul3A_133, %dma_start3A_208] : memref<160000x256xi32, #tpu.memory_space<hbm>> -> memref<40x256xi32, #tpu.memory_space<hbm>>
      %dma_start3A_210 = arith.constant 0 : i32
      %dma_start3A_211 = tpu.memref_slice %arg9[%mul3A_133, %dma_start3A_210] : memref<160000x256xi32, #tpu.memory_space<hbm>> -> memref<40x256xi32, #tpu.memory_space<hbm>>
      tpu.enqueue_dma source(%arg16 : memref<40x256xi32, #tpu.memory_space<vmem>>) target(%dma_start3A_211 : memref<40x256xi32, #tpu.memory_space<hbm>>) target_semaphore(%arg28 : memref<!tpu.dma_semaphore, #tpu.memory_space<semaphore_mem>>)
      %dma_wait3A_212 = arith.constant 0 : i32
      %dma_wait3A_213 = arith.constant 0 : i32
      %dma_wait3A_214 = tpu.memref_slice %arg3[%dma_wait3A_212, %dma_wait3A_213] : memref<10000x256xi32, #tpu.memory_space<hbm>> -> memref<10000x256xi32, #tpu.memory_space<hbm>>
      tpu.wait_indirect_dma semaphore(%arg25 : memref<!tpu.dma_semaphore, #tpu.memory_space<semaphore_mem>>) src(%dma_wait3A_214 : memref<10000x256xi32, #tpu.memory_space<hbm>>) dst(%arg18 : memref<40x256xi32, #tpu.memory_space<vmem>>)
      %dma_start3A_215 = arith.constant 0 : i32
      %dma_start3A_216 = tpu.memref_slice %arg10[%mul3A_133, %dma_start3A_215] : memref<160000x256xi32, #tpu.memory_space<hbm>> -> memref<40x256xi32, #tpu.memory_space<hbm>>
      %dma_start3A_217 = arith.constant 0 : i32
      %dma_start3A_218 = tpu.memref_slice %arg10[%mul3A_133, %dma_start3A_217] : memref<160000x256xi32, #tpu.memory_space<hbm>> -> memref<40x256xi32, #tpu.memory_space<hbm>>
      tpu.enqueue_dma source(%arg18 : memref<40x256xi32, #tpu.memory_space<vmem>>) target(%dma_start3A_218 : memref<40x256xi32, #tpu.memory_space<hbm>>) target_semaphore(%arg29 : memref<!tpu.dma_semaphore, #tpu.memory_space<semaphore_mem>>)
      %gt3A_219 = arith.constant 0 : i32
      %gt3A_220 = arith.cmpi sgt, %scan3A_124, %gt3A_219 : i32
      %convert_element_type3A_221 = arith.extui %gt3A_220 : i1 to i32
      %cond3A_222 = arith.constant 0 : i32
      %cond3A_223 = arith.cmpi ne, %convert_element_type3A_221, %cond3A_222 : i32
      scf.if %cond3A_223 {
        %dma_wait3A_318 = arith.constant 0 : i32
        %dma_wait3A_319 = arith.constant 0 : i32
        %dma_wait3A_320 = tpu.memref_slice %arg9[%dma_wait3A_318, %dma_wait3A_319] : memref<160000x256xi32, #tpu.memory_space<hbm>> -> memref<40x256xi32, #tpu.memory_space<hbm>>
        %dma_wait3A_321 = arith.constant 0 : i32
        %dma_wait3A_322 = arith.constant 0 : i32
        %dma_wait3A_323 = tpu.memref_slice %arg9[%dma_wait3A_321, %dma_wait3A_322] : memref<160000x256xi32, #tpu.memory_space<hbm>> -> memref<40x256xi32, #tpu.memory_space<hbm>>
        tpu.wait_dma2 semaphore(%arg30 : memref<!tpu.dma_semaphore, #tpu.memory_space<semaphore_mem>>) src(%arg17 : memref<40x256xi32, #tpu.memory_space<vmem>>) dst(%dma_wait3A_323 : memref<40x256xi32, #tpu.memory_space<hbm>>)
        %dma_wait3A_324 = arith.constant 0 : i32
        %dma_wait3A_325 = arith.constant 0 : i32
        %dma_wait3A_326 = tpu.memref_slice %arg10[%dma_wait3A_324, %dma_wait3A_325] : memref<160000x256xi32, #tpu.memory_space<hbm>> -> memref<40x256xi32, #tpu.memory_space<hbm>>
        %dma_wait3A_327 = arith.constant 0 : i32
        %dma_wait3A_328 = arith.constant 0 : i32
        %dma_wait3A_329 = tpu.memref_slice %arg10[%dma_wait3A_327, %dma_wait3A_328] : memref<160000x256xi32, #tpu.memory_space<hbm>> -> memref<40x256xi32, #tpu.memory_space<hbm>>
        tpu.wait_dma2 semaphore(%arg31 : memref<!tpu.dma_semaphore, #tpu.memory_space<semaphore_mem>>) src(%arg19 : memref<40x256xi32, #tpu.memory_space<vmem>>) dst(%dma_wait3A_329 : memref<40x256xi32, #tpu.memory_space<hbm>>)
      } else {
      }
      %mul3A_224 = arith.constant 2 : i32
      %mul3A_225 = arith.muli %mul3A_224, %scan3A_124 : i32
      %add3A_226 = arith.constant 1 : i32
      %add3A_227 = arith.addi %mul3A_225, %add3A_226 : i32
      %mul3A_228 = arith.constant 32 : i32
      %mul3A_229 = arith.muli %mul3A_228, %add3A_227 : i32
      %add3A_230 = arith.addi %add3A, %mul3A_229 : i32
      %mul3A_231 = arith.constant 40 : i32
      %mul3A_232 = arith.muli %add3A_230, %mul3A_231 : i32
      "tpu.region"() ({
        %run_scoped3A = tpu.sem_alloc : memref<!tpu.dma_semaphore, #tpu.memory_space<semaphore_mem>>
        %dma_start3A_318 = tpu.memref_slice %arg4[%mul3A_232] : memref<160000xi32, #tpu.memory_space<hbm>> -> memref<40xi32, #tpu.memory_space<hbm>>
        %dma_start3A_319 = tpu.memref_slice %arg4[%mul3A_232] : memref<160000xi32, #tpu.memory_space<hbm>> -> memref<40xi32, #tpu.memory_space<hbm>>
        tpu.enqueue_dma source(%dma_start3A_319 : memref<40xi32, #tpu.memory_space<hbm>>) target(%arg13 : memref<40xi32, #tpu.memory_space<vmem>>) target_semaphore(%run_scoped3A : memref<!tpu.dma_semaphore, #tpu.memory_space<semaphore_mem>>)
        %dma_wait3A_320 = tpu.memref_slice %arg4[%mul3A_232] : memref<160000xi32, #tpu.memory_space<hbm>> -> memref<40xi32, #tpu.memory_space<hbm>>
        %dma_wait3A_321 = tpu.memref_slice %arg4[%mul3A_232] : memref<160000xi32, #tpu.memory_space<hbm>> -> memref<40xi32, #tpu.memory_space<hbm>>
        tpu.wait_dma2 semaphore(%run_scoped3A : memref<!tpu.dma_semaphore, #tpu.memory_space<semaphore_mem>>) src(%dma_wait3A_321 : memref<40xi32, #tpu.memory_space<hbm>>) dst(%arg13 : memref<40xi32, #tpu.memory_space<vmem>>)
        tpu.yield
      }) : () -> ()
      "tpu.region"() ({
        %run_scoped3A = tpu.sem_alloc : memref<!tpu.dma_semaphore, #tpu.memory_space<semaphore_mem>>
        %dma_start3A_318 = tpu.memref_slice %arg5[%mul3A_232] : memref<160000xi32, #tpu.memory_space<hbm>> -> memref<40xi32, #tpu.memory_space<hbm>>
        %dma_start3A_319 = tpu.memref_slice %arg5[%mul3A_232] : memref<160000xi32, #tpu.memory_space<hbm>> -> memref<40xi32, #tpu.memory_space<hbm>>
        tpu.enqueue_dma source(%dma_start3A_319 : memref<40xi32, #tpu.memory_space<hbm>>) target(%arg15 : memref<40xi32, #tpu.memory_space<vmem>>) target_semaphore(%run_scoped3A : memref<!tpu.dma_semaphore, #tpu.memory_space<semaphore_mem>>)
        %dma_wait3A_320 = tpu.memref_slice %arg5[%mul3A_232] : memref<160000xi32, #tpu.memory_space<hbm>> -> memref<40xi32, #tpu.memory_space<hbm>>
        %dma_wait3A_321 = tpu.memref_slice %arg5[%mul3A_232] : memref<160000xi32, #tpu.memory_space<hbm>> -> memref<40xi32, #tpu.memory_space<hbm>>
        tpu.wait_dma2 semaphore(%run_scoped3A : memref<!tpu.dma_semaphore, #tpu.memory_space<semaphore_mem>>) src(%dma_wait3A_321 : memref<40xi32, #tpu.memory_space<hbm>>) dst(%arg15 : memref<40xi32, #tpu.memory_space<vmem>>)
        tpu.yield
      }) : () -> ()
      %dma_start3A_233 = arith.constant 0 : i32
      %dma_start3A_234 = arith.constant 0 : i32
      %dma_start3A_235 = tpu.memref_slice %arg2[%dma_start3A_233, %dma_start3A_234] : memref<10000x256xi32, #tpu.memory_space<hbm>> -> memref<10000x256xi32, #tpu.memory_space<hbm>>
      tpu.enqueue_indirect_dma source(%dma_start3A_235 : memref<10000x256xi32, #tpu.memory_space<hbm>>) target(%arg17 : memref<40x256xi32, #tpu.memory_space<vmem>>) offsets(%arg13 : memref<40xi32, #tpu.memory_space<vmem>>) semaphore(%arg26 : memref<!tpu.dma_semaphore, #tpu.memory_space<semaphore_mem>>)
      %dma_start3A_236 = arith.constant 0 : i32
      %dma_start3A_237 = arith.constant 0 : i32
      %dma_start3A_238 = tpu.memref_slice %arg3[%dma_start3A_236, %dma_start3A_237] : memref<10000x256xi32, #tpu.memory_space<hbm>> -> memref<10000x256xi32, #tpu.memory_space<hbm>>
      tpu.enqueue_indirect_dma source(%dma_start3A_238 : memref<10000x256xi32, #tpu.memory_space<hbm>>) target(%arg19 : memref<40x256xi32, #tpu.memory_space<vmem>>) offsets(%arg15 : memref<40xi32, #tpu.memory_space<vmem>>) semaphore(%arg27 : memref<!tpu.dma_semaphore, #tpu.memory_space<semaphore_mem>>)
      %mul3A_239 = arith.constant 32 : i32
      %mul3A_240 = arith.muli %mul3A_239, %add3A_227 : i32
      %add3A_241 = arith.addi %add3A, %mul3A_240 : i32
      %mul3A_242 = arith.constant 40 : i32
      %mul3A_243 = arith.muli %add3A_241, %mul3A_242 : i32
      %get3A_244 = arith.constant 0 : index
      %get3A_245 = tpu.vector_load %arg13[%get3A_244] {strides = array<i32>} : memref<40xi32, #tpu.memory_space<vmem>>, vector<16xi32>,
      %get3A_246 = arith.constant 0 : index
      %get3A_247 = tpu.vector_load %arg15[%get3A_246] {strides = array<i32>} : memref<40xi32, #tpu.memory_space<vmem>>, vector<16xi32>,
      %gather3A_248 = tpu.vector_load_idx %arg20[%get3A_245] : memref<10000xf32, #tpu.memory_space<vmem>>[vector<16xi32>], vector<16xf32>,
      %gather3A_249 = tpu.vector_load_idx %arg20[%get3A_247] : memref<10000xf32, #tpu.memory_space<vmem>>[vector<16xi32>], vector<16xf32>,
      %sub3A_250 = arith.subf %gather3A_248, %gather3A_249 : vector<16xf32>
      %gather3A_251 = tpu.vector_load_idx %arg21[%get3A_245] : memref<10000xf32, #tpu.memory_space<vmem>>[vector<16xi32>], vector<16xf32>,
      %gather3A_252 = tpu.vector_load_idx %arg21[%get3A_247] : memref<10000xf32, #tpu.memory_space<vmem>>[vector<16xi32>], vector<16xf32>,
      %sub3A_253 = arith.subf %gather3A_251, %gather3A_252 : vector<16xf32>
      %gather3A_254 = tpu.vector_load_idx %arg22[%get3A_245] : memref<10000xf32, #tpu.memory_space<vmem>>[vector<16xi32>], vector<16xf32>,
      %gather3A_255 = tpu.vector_load_idx %arg22[%get3A_247] : memref<10000xf32, #tpu.memory_space<vmem>>[vector<16xi32>], vector<16xf32>,
      %sub3A_256 = arith.subf %gather3A_254, %gather3A_255 : vector<16xf32>
      %mul3A_257 = arith.mulf %sub3A_250, %sub3A_250 : vector<16xf32>
      %mul3A_258 = arith.mulf %sub3A_253, %sub3A_253 : vector<16xf32>
      %add3A_259 = arith.addf %mul3A_257, %mul3A_258 : vector<16xf32>
      %mul3A_260 = arith.mulf %sub3A_256, %sub3A_256 : vector<16xf32>
      %add3A_261 = arith.addf %add3A_259, %mul3A_260 : vector<16xf32>
      %swap3A_262 = arith.constant 0 : index
      %swap3A_263 = tpu.vector_load %arg23[%swap3A_262] {strides = array<i32>} : memref<40xf32, #tpu.memory_space<vmem>>, vector<16xf32>,
      tpu.vector_store %arg23[%swap3A_262], %add3A_261 {strides = array<i32>} : memref<40xf32, #tpu.memory_space<vmem>>, vector<16xf32>,
      %get3A_264 = arith.constant 16 : index
      %get3A_265 = tpu.vector_load %arg13[%get3A_264] {strides = array<i32>} : memref<40xi32, #tpu.memory_space<vmem>>, vector<16xi32>,
      %get3A_266 = arith.constant 16 : index
      %get3A_267 = tpu.vector_load %arg15[%get3A_266] {strides = array<i32>} : memref<40xi32, #tpu.memory_space<vmem>>, vector<16xi32>,
      %gather3A_268 = tpu.vector_load_idx %arg20[%get3A_265] : memref<10000xf32, #tpu.memory_space<vmem>>[vector<16xi32>], vector<16xf32>,
      %gather3A_269 = tpu.vector_load_idx %arg20[%get3A_267] : memref<10000xf32, #tpu.memory_space<vmem>>[vector<16xi32>], vector<16xf32>,
      %sub3A_270 = arith.subf %gather3A_268, %gather3A_269 : vector<16xf32>
      %gather3A_271 = tpu.vector_load_idx %arg21[%get3A_265] : memref<10000xf32, #tpu.memory_space<vmem>>[vector<16xi32>], vector<16xf32>,
      %gather3A_272 = tpu.vector_load_idx %arg21[%get3A_267] : memref<10000xf32, #tpu.memory_space<vmem>>[vector<16xi32>], vector<16xf32>,
      %sub3A_273 = arith.subf %gather3A_271, %gather3A_272 : vector<16xf32>
      %gather3A_274 = tpu.vector_load_idx %arg22[%get3A_265] : memref<10000xf32, #tpu.memory_space<vmem>>[vector<16xi32>], vector<16xf32>,
      %gather3A_275 = tpu.vector_load_idx %arg22[%get3A_267] : memref<10000xf32, #tpu.memory_space<vmem>>[vector<16xi32>], vector<16xf32>,
      %sub3A_276 = arith.subf %gather3A_274, %gather3A_275 : vector<16xf32>
      %mul3A_277 = arith.mulf %sub3A_270, %sub3A_270 : vector<16xf32>
      %mul3A_278 = arith.mulf %sub3A_273, %sub3A_273 : vector<16xf32>
      %add3A_279 = arith.addf %mul3A_277, %mul3A_278 : vector<16xf32>
      %mul3A_280 = arith.mulf %sub3A_276, %sub3A_276 : vector<16xf32>
      %add3A_281 = arith.addf %add3A_279, %mul3A_280 : vector<16xf32>
      %swap3A_282 = arith.constant 16 : index
      %swap3A_283 = tpu.vector_load %arg23[%swap3A_282] {strides = array<i32>} : memref<40xf32, #tpu.memory_space<vmem>>, vector<16xf32>,
      tpu.vector_store %arg23[%swap3A_282], %add3A_281 {strides = array<i32>} : memref<40xf32, #tpu.memory_space<vmem>>, vector<16xf32>,
      %get3A_284 = arith.constant 24 : index
      %get3A_285 = tpu.vector_load %arg13[%get3A_284] {strides = array<i32>} : memref<40xi32, #tpu.memory_space<vmem>>, vector<16xi32>,
      %get3A_286 = arith.constant 24 : index
      %get3A_287 = tpu.vector_load %arg15[%get3A_286] {strides = array<i32>} : memref<40xi32, #tpu.memory_space<vmem>>, vector<16xi32>,
      %gather3A_288 = tpu.vector_load_idx %arg20[%get3A_285] : memref<10000xf32, #tpu.memory_space<vmem>>[vector<16xi32>], vector<16xf32>,
      %gather3A_289 = tpu.vector_load_idx %arg20[%get3A_287] : memref<10000xf32, #tpu.memory_space<vmem>>[vector<16xi32>], vector<16xf32>,
      %sub3A_290 = arith.subf %gather3A_288, %gather3A_289 : vector<16xf32>
      %gather3A_291 = tpu.vector_load_idx %arg21[%get3A_285] : memref<10000xf32, #tpu.memory_space<vmem>>[vector<16xi32>], vector<16xf32>,
      %gather3A_292 = tpu.vector_load_idx %arg21[%get3A_287] : memref<10000xf32, #tpu.memory_space<vmem>>[vector<16xi32>], vector<16xf32>,
      %sub3A_293 = arith.subf %gather3A_291, %gather3A_292 : vector<16xf32>
      %gather3A_294 = tpu.vector_load_idx %arg22[%get3A_285] : memref<10000xf32, #tpu.memory_space<vmem>>[vector<16xi32>], vector<16xf32>,
      %gather3A_295 = tpu.vector_load_idx %arg22[%get3A_287] : memref<10000xf32, #tpu.memory_space<vmem>>[vector<16xi32>], vector<16xf32>,
      %sub3A_296 = arith.subf %gather3A_294, %gather3A_295 : vector<16xf32>
      %mul3A_297 = arith.mulf %sub3A_290, %sub3A_290 : vector<16xf32>
      %mul3A_298 = arith.mulf %sub3A_293, %sub3A_293 : vector<16xf32>
      %add3A_299 = arith.addf %mul3A_297, %mul3A_298 : vector<16xf32>
      %mul3A_300 = arith.mulf %sub3A_296, %sub3A_296 : vector<16xf32>
      %add3A_301 = arith.addf %add3A_299, %mul3A_300 : vector<16xf32>
      %swap3A_302 = arith.constant 24 : index
      %swap3A_303 = tpu.vector_load %arg23[%swap3A_302] {strides = array<i32>} : memref<40xf32, #tpu.memory_space<vmem>>, vector<16xf32>,
      tpu.vector_store %arg23[%swap3A_302], %add3A_301 {strides = array<i32>} : memref<40xf32, #tpu.memory_space<vmem>>, vector<16xf32>,
      "tpu.region"() ({
        %run_scoped3A = tpu.sem_alloc : memref<!tpu.dma_semaphore, #tpu.memory_space<semaphore_mem>>
        %dma_start3A_318 = tpu.memref_slice %arg11[%mul3A_243] : memref<160000xf32, #tpu.memory_space<hbm>> -> memref<40xf32, #tpu.memory_space<hbm>>
        %dma_start3A_319 = tpu.memref_slice %arg11[%mul3A_243] : memref<160000xf32, #tpu.memory_space<hbm>> -> memref<40xf32, #tpu.memory_space<hbm>>
        tpu.enqueue_dma source(%arg23 : memref<40xf32, #tpu.memory_space<vmem>>) target(%dma_start3A_319 : memref<40xf32, #tpu.memory_space<hbm>>) target_semaphore(%run_scoped3A : memref<!tpu.dma_semaphore, #tpu.memory_space<semaphore_mem>>)
        %dma_wait3A_320 = tpu.memref_slice %arg11[%mul3A_243] : memref<160000xf32, #tpu.memory_space<hbm>> -> memref<40xf32, #tpu.memory_space<hbm>>
        %dma_wait3A_321 = tpu.memref_slice %arg11[%mul3A_243] : memref<160000xf32, #tpu.memory_space<hbm>> -> memref<40xf32, #tpu.memory_space<hbm>>
        tpu.wait_dma2 semaphore(%run_scoped3A : memref<!tpu.dma_semaphore, #tpu.memory_space<semaphore_mem>>) src(%arg23 : memref<40xf32, #tpu.memory_space<vmem>>) dst(%dma_wait3A_321 : memref<40xf32, #tpu.memory_space<hbm>>)
        tpu.yield
      }) : () -> ()
      %dma_wait3A_304 = arith.constant 0 : i32
      %dma_wait3A_305 = arith.constant 0 : i32
      %dma_wait3A_306 = tpu.memref_slice %arg2[%dma_wait3A_304, %dma_wait3A_305] : memref<10000x256xi32, #tpu.memory_space<hbm>> -> memref<10000x256xi32, #tpu.memory_space<hbm>>
      tpu.wait_indirect_dma semaphore(%arg26 : memref<!tpu.dma_semaphore, #tpu.memory_space<semaphore_mem>>) src(%dma_wait3A_306 : memref<10000x256xi32, #tpu.memory_space<hbm>>) dst(%arg17 : memref<40x256xi32, #tpu.memory_space<vmem>>)
      %dma_start3A_307 = arith.constant 0 : i32
      %dma_start3A_308 = tpu.memref_slice %arg9[%mul3A_232, %dma_start3A_307] : memref<160000x256xi32, #tpu.memory_space<hbm>> -> memref<40x256xi32, #tpu.memory_space<hbm>>
      %dma_start3A_309 = arith.constant 0 : i32
      %dma_start3A_310 = tpu.memref_slice %arg9[%mul3A_232, %dma_start3A_309] : memref<160000x256xi32, #tpu.memory_space<hbm>> -> memref<40x256xi32, #tpu.memory_space<hbm>>
      tpu.enqueue_dma source(%arg17 : memref<40x256xi32, #tpu.memory_space<vmem>>) target(%dma_start3A_310 : memref<40x256xi32, #tpu.memory_space<hbm>>) target_semaphore(%arg30 : memref<!tpu.dma_semaphore, #tpu.memory_space<semaphore_mem>>)
      %dma_wait3A_311 = arith.constant 0 : i32
      %dma_wait3A_312 = arith.constant 0 : i32
      %dma_wait3A_313 = tpu.memref_slice %arg3[%dma_wait3A_311, %dma_wait3A_312] : memref<10000x256xi32, #tpu.memory_space<hbm>> -> memref<10000x256xi32, #tpu.memory_space<hbm>>
      tpu.wait_indirect_dma semaphore(%arg27 : memref<!tpu.dma_semaphore, #tpu.memory_space<semaphore_mem>>) src(%dma_wait3A_313 : memref<10000x256xi32, #tpu.memory_space<hbm>>) dst(%arg19 : memref<40x256xi32, #tpu.memory_space<vmem>>)
      %dma_start3A_314 = arith.constant 0 : i32
      %dma_start3A_315 = tpu.memref_slice %arg10[%mul3A_232, %dma_start3A_314] : memref<160000x256xi32, #tpu.memory_space<hbm>> -> memref<40x256xi32, #tpu.memory_space<hbm>>
      %dma_start3A_316 = arith.constant 0 : i32
      %dma_start3A_317 = tpu.memref_slice %arg10[%mul3A_232, %dma_start3A_316] : memref<160000x256xi32, #tpu.memory_space<hbm>> -> memref<40x256xi32, #tpu.memory_space<hbm>>
      tpu.enqueue_dma source(%arg19 : memref<40x256xi32, #tpu.memory_space<vmem>>) target(%dma_start3A_317 : memref<40x256xi32, #tpu.memory_space<hbm>>) target_semaphore(%arg31 : memref<!tpu.dma_semaphore, #tpu.memory_space<semaphore_mem>>)
    }
    %scan3A_5 = arith.constant 62 : i32
    %dma_wait3A = arith.constant 0 : i32
    %dma_wait3A_6 = arith.constant 0 : i32
    %dma_wait3A_7 = tpu.memref_slice %arg9[%dma_wait3A, %dma_wait3A_6] : memref<160000x256xi32, #tpu.memory_space<hbm>> -> memref<40x256xi32, #tpu.memory_space<hbm>>
    %dma_wait3A_8 = arith.constant 0 : i32
    %dma_wait3A_9 = arith.constant 0 : i32
    %dma_wait3A_10 = tpu.memref_slice %arg9[%dma_wait3A_8, %dma_wait3A_9] : memref<160000x256xi32, #tpu.memory_space<hbm>> -> memref<40x256xi32, #tpu.memory_space<hbm>>
    tpu.wait_dma2 semaphore(%arg28 : memref<!tpu.dma_semaphore, #tpu.memory_space<semaphore_mem>>) src(%arg16 : memref<40x256xi32, #tpu.memory_space<vmem>>) dst(%dma_wait3A_10 : memref<40x256xi32, #tpu.memory_space<hbm>>)
    %dma_wait3A_11 = arith.constant 0 : i32
    %dma_wait3A_12 = arith.constant 0 : i32
    %dma_wait3A_13 = tpu.memref_slice %arg10[%dma_wait3A_11, %dma_wait3A_12] : memref<160000x256xi32, #tpu.memory_space<hbm>> -> memref<40x256xi32, #tpu.memory_space<hbm>>
    %dma_wait3A_14 = arith.constant 0 : i32
    %dma_wait3A_15 = arith.constant 0 : i32
    %dma_wait3A_16 = tpu.memref_slice %arg10[%dma_wait3A_14, %dma_wait3A_15] : memref<160000x256xi32, #tpu.memory_space<hbm>> -> memref<40x256xi32, #tpu.memory_space<hbm>>
    tpu.wait_dma2 semaphore(%arg29 : memref<!tpu.dma_semaphore, #tpu.memory_space<semaphore_mem>>) src(%arg18 : memref<40x256xi32, #tpu.memory_space<vmem>>) dst(%dma_wait3A_16 : memref<40x256xi32, #tpu.memory_space<hbm>>)
    %add3A_17 = arith.constant 3968 : i32
    %add3A_18 = arith.addi %add3A, %add3A_17 : i32
    %mul3A_19 = arith.constant 40 : i32
    %mul3A_20 = arith.muli %add3A_18, %mul3A_19 : i32
    "tpu.region"() ({
      %run_scoped3A = tpu.sem_alloc : memref<!tpu.dma_semaphore, #tpu.memory_space<semaphore_mem>>
      %dma_start3A_124 = tpu.memref_slice %arg4[%mul3A_20] : memref<160000xi32, #tpu.memory_space<hbm>> -> memref<40xi32, #tpu.memory_space<hbm>>
      %dma_start3A_125 = tpu.memref_slice %arg4[%mul3A_20] : memref<160000xi32, #tpu.memory_space<hbm>> -> memref<40xi32, #tpu.memory_space<hbm>>
      tpu.enqueue_dma source(%dma_start3A_125 : memref<40xi32, #tpu.memory_space<hbm>>) target(%arg12 : memref<40xi32, #tpu.memory_space<vmem>>) target_semaphore(%run_scoped3A : memref<!tpu.dma_semaphore, #tpu.memory_space<semaphore_mem>>)
      %dma_wait3A_126 = tpu.memref_slice %arg4[%mul3A_20] : memref<160000xi32, #tpu.memory_space<hbm>> -> memref<40xi32, #tpu.memory_space<hbm>>
      %dma_wait3A_127 = tpu.memref_slice %arg4[%mul3A_20] : memref<160000xi32, #tpu.memory_space<hbm>> -> memref<40xi32, #tpu.memory_space<hbm>>
      tpu.wait_dma2 semaphore(%run_scoped3A : memref<!tpu.dma_semaphore, #tpu.memory_space<semaphore_mem>>) src(%dma_wait3A_127 : memref<40xi32, #tpu.memory_space<hbm>>) dst(%arg12 : memref<40xi32, #tpu.memory_space<vmem>>)
      tpu.yield
    }) : () -> ()
    "tpu.region"() ({
      %run_scoped3A = tpu.sem_alloc : memref<!tpu.dma_semaphore, #tpu.memory_space<semaphore_mem>>
      %dma_start3A_124 = tpu.memref_slice %arg5[%mul3A_20] : memref<160000xi32, #tpu.memory_space<hbm>> -> memref<40xi32, #tpu.memory_space<hbm>>
      %dma_start3A_125 = tpu.memref_slice %arg5[%mul3A_20] : memref<160000xi32, #tpu.memory_space<hbm>> -> memref<40xi32, #tpu.memory_space<hbm>>
      tpu.enqueue_dma source(%dma_start3A_125 : memref<40xi32, #tpu.memory_space<hbm>>) target(%arg14 : memref<40xi32, #tpu.memory_space<vmem>>) target_semaphore(%run_scoped3A : memref<!tpu.dma_semaphore, #tpu.memory_space<semaphore_mem>>)
      %dma_wait3A_126 = tpu.memref_slice %arg5[%mul3A_20] : memref<160000xi32, #tpu.memory_space<hbm>> -> memref<40xi32, #tpu.memory_space<hbm>>
      %dma_wait3A_127 = tpu.memref_slice %arg5[%mul3A_20] : memref<160000xi32, #tpu.memory_space<hbm>> -> memref<40xi32, #tpu.memory_space<hbm>>
      tpu.wait_dma2 semaphore(%run_scoped3A : memref<!tpu.dma_semaphore, #tpu.memory_space<semaphore_mem>>) src(%dma_wait3A_127 : memref<40xi32, #tpu.memory_space<hbm>>) dst(%arg14 : memref<40xi32, #tpu.memory_space<vmem>>)
      tpu.yield
    }) : () -> ()
    %dma_start3A = arith.constant 0 : i32
    %dma_start3A_21 = arith.constant 0 : i32
    %dma_start3A_22 = tpu.memref_slice %arg2[%dma_start3A, %dma_start3A_21] : memref<10000x256xi32, #tpu.memory_space<hbm>> -> memref<10000x256xi32, #tpu.memory_space<hbm>>
    tpu.enqueue_indirect_dma source(%dma_start3A_22 : memref<10000x256xi32, #tpu.memory_space<hbm>>) target(%arg16 : memref<40x256xi32, #tpu.memory_space<vmem>>) offsets(%arg12 : memref<40xi32, #tpu.memory_space<vmem>>) semaphore(%arg24 : memref<!tpu.dma_semaphore, #tpu.memory_space<semaphore_mem>>)
    %dma_start3A_23 = arith.constant 0 : i32
    %dma_start3A_24 = arith.constant 0 : i32
    %dma_start3A_25 = tpu.memref_slice %arg3[%dma_start3A_23, %dma_start3A_24] : memref<10000x256xi32, #tpu.memory_space<hbm>> -> memref<10000x256xi32, #tpu.memory_space<hbm>>
    tpu.enqueue_indirect_dma source(%dma_start3A_25 : memref<10000x256xi32, #tpu.memory_space<hbm>>) target(%arg18 : memref<40x256xi32, #tpu.memory_space<vmem>>) offsets(%arg14 : memref<40xi32, #tpu.memory_space<vmem>>) semaphore(%arg25 : memref<!tpu.dma_semaphore, #tpu.memory_space<semaphore_mem>>)
    %add3A_26 = arith.constant 3968 : i32
    %add3A_27 = arith.addi %add3A, %add3A_26 : i32
    %mul3A_28 = arith.constant 40 : i32
    %mul3A_29 = arith.muli %add3A_27, %mul3A_28 : i32
    %get3A = arith.constant 0 : index
    %get3A_30 = tpu.vector_load %arg12[%get3A] {strides = array<i32>} : memref<40xi32, #tpu.memory_space<vmem>>, vector<16xi32>,
    %get3A_31 = arith.constant 0 : index
    %get3A_32 = tpu.vector_load %arg14[%get3A_31] {strides = array<i32>} : memref<40xi32, #tpu.memory_space<vmem>>, vector<16xi32>,
    %gather3A = tpu.vector_load_idx %arg20[%get3A_30] : memref<10000xf32, #tpu.memory_space<vmem>>[vector<16xi32>], vector<16xf32>,
    %gather3A_33 = tpu.vector_load_idx %arg20[%get3A_32] : memref<10000xf32, #tpu.memory_space<vmem>>[vector<16xi32>], vector<16xf32>,
    %sub3A = arith.subf %gather3A, %gather3A_33 : vector<16xf32>
    %gather3A_34 = tpu.vector_load_idx %arg21[%get3A_30] : memref<10000xf32, #tpu.memory_space<vmem>>[vector<16xi32>], vector<16xf32>,
    %gather3A_35 = tpu.vector_load_idx %arg21[%get3A_32] : memref<10000xf32, #tpu.memory_space<vmem>>[vector<16xi32>], vector<16xf32>,
    %sub3A_36 = arith.subf %gather3A_34, %gather3A_35 : vector<16xf32>
    %gather3A_37 = tpu.vector_load_idx %arg22[%get3A_30] : memref<10000xf32, #tpu.memory_space<vmem>>[vector<16xi32>], vector<16xf32>,
    %gather3A_38 = tpu.vector_load_idx %arg22[%get3A_32] : memref<10000xf32, #tpu.memory_space<vmem>>[vector<16xi32>], vector<16xf32>,
    %sub3A_39 = arith.subf %gather3A_37, %gather3A_38 : vector<16xf32>
    %mul3A_40 = arith.mulf %sub3A, %sub3A : vector<16xf32>
    %mul3A_41 = arith.mulf %sub3A_36, %sub3A_36 : vector<16xf32>
    %add3A_42 = arith.addf %mul3A_40, %mul3A_41 : vector<16xf32>
    %mul3A_43 = arith.mulf %sub3A_39, %sub3A_39 : vector<16xf32>
    %add3A_44 = arith.addf %add3A_42, %mul3A_43 : vector<16xf32>
    %swap3A = arith.constant 0 : index
    %swap3A_45 = tpu.vector_load %arg23[%swap3A] {strides = array<i32>} : memref<40xf32, #tpu.memory_space<vmem>>, vector<16xf32>,
    tpu.vector_store %arg23[%swap3A], %add3A_44 {strides = array<i32>} : memref<40xf32, #tpu.memory_space<vmem>>, vector<16xf32>,
    %get3A_46 = arith.constant 16 : index
    %get3A_47 = tpu.vector_load %arg12[%get3A_46] {strides = array<i32>} : memref<40xi32, #tpu.memory_space<vmem>>, vector<16xi32>,
    %get3A_48 = arith.constant 16 : index
    %get3A_49 = tpu.vector_load %arg14[%get3A_48] {strides = array<i32>} : memref<40xi32, #tpu.memory_space<vmem>>, vector<16xi32>,
    %gather3A_50 = tpu.vector_load_idx %arg20[%get3A_47] : memref<10000xf32, #tpu.memory_space<vmem>>[vector<16xi32>], vector<16xf32>,
    %gather3A_51 = tpu.vector_load_idx %arg20[%get3A_49] : memref<10000xf32, #tpu.memory_space<vmem>>[vector<16xi32>], vector<16xf32>,
    %sub3A_52 = arith.subf %gather3A_50, %gather3A_51 : vector<16xf32>
    %gather3A_53 = tpu.vector_load_idx %arg21[%get3A_47] : memref<10000xf32, #tpu.memory_space<vmem>>[vector<16xi32>], vector<16xf32>,
    %gather3A_54 = tpu.vector_load_idx %arg21[%get3A_49] : memref<10000xf32, #tpu.memory_space<vmem>>[vector<16xi32>], vector<16xf32>,
    %sub3A_55 = arith.subf %gather3A_53, %gather3A_54 : vector<16xf32>
    %gather3A_56 = tpu.vector_load_idx %arg22[%get3A_47] : memref<10000xf32, #tpu.memory_space<vmem>>[vector<16xi32>], vector<16xf32>,
    %gather3A_57 = tpu.vector_load_idx %arg22[%get3A_49] : memref<10000xf32, #tpu.memory_space<vmem>>[vector<16xi32>], vector<16xf32>,
    %sub3A_58 = arith.subf %gather3A_56, %gather3A_57 : vector<16xf32>
    %mul3A_59 = arith.mulf %sub3A_52, %sub3A_52 : vector<16xf32>
    %mul3A_60 = arith.mulf %sub3A_55, %sub3A_55 : vector<16xf32>
    %add3A_61 = arith.addf %mul3A_59, %mul3A_60 : vector<16xf32>
    %mul3A_62 = arith.mulf %sub3A_58, %sub3A_58 : vector<16xf32>
    %add3A_63 = arith.addf %add3A_61, %mul3A_62 : vector<16xf32>
    %swap3A_64 = arith.constant 16 : index
    %swap3A_65 = tpu.vector_load %arg23[%swap3A_64] {strides = array<i32>} : memref<40xf32, #tpu.memory_space<vmem>>, vector<16xf32>,
    tpu.vector_store %arg23[%swap3A_64], %add3A_63 {strides = array<i32>} : memref<40xf32, #tpu.memory_space<vmem>>, vector<16xf32>,
    %get3A_66 = arith.constant 24 : index
    %get3A_67 = tpu.vector_load %arg12[%get3A_66] {strides = array<i32>} : memref<40xi32, #tpu.memory_space<vmem>>, vector<16xi32>,
    %get3A_68 = arith.constant 24 : index
    %get3A_69 = tpu.vector_load %arg14[%get3A_68] {strides = array<i32>} : memref<40xi32, #tpu.memory_space<vmem>>, vector<16xi32>,
    %gather3A_70 = tpu.vector_load_idx %arg20[%get3A_67] : memref<10000xf32, #tpu.memory_space<vmem>>[vector<16xi32>], vector<16xf32>,
    %gather3A_71 = tpu.vector_load_idx %arg20[%get3A_69] : memref<10000xf32, #tpu.memory_space<vmem>>[vector<16xi32>], vector<16xf32>,
    %sub3A_72 = arith.subf %gather3A_70, %gather3A_71 : vector<16xf32>
    %gather3A_73 = tpu.vector_load_idx %arg21[%get3A_67] : memref<10000xf32, #tpu.memory_space<vmem>>[vector<16xi32>], vector<16xf32>,
    %gather3A_74 = tpu.vector_load_idx %arg21[%get3A_69] : memref<10000xf32, #tpu.memory_space<vmem>>[vector<16xi32>], vector<16xf32>,
    %sub3A_75 = arith.subf %gather3A_73, %gather3A_74 : vector<16xf32>
    %gather3A_76 = tpu.vector_load_idx %arg22[%get3A_67] : memref<10000xf32, #tpu.memory_space<vmem>>[vector<16xi32>], vector<16xf32>,
    %gather3A_77 = tpu.vector_load_idx %arg22[%get3A_69] : memref<10000xf32, #tpu.memory_space<vmem>>[vector<16xi32>], vector<16xf32>,
    %sub3A_78 = arith.subf %gather3A_76, %gather3A_77 : vector<16xf32>
    %mul3A_79 = arith.mulf %sub3A_72, %sub3A_72 : vector<16xf32>
    %mul3A_80 = arith.mulf %sub3A_75, %sub3A_75 : vector<16xf32>
    %add3A_81 = arith.addf %mul3A_79, %mul3A_80 : vector<16xf32>
    %mul3A_82 = arith.mulf %sub3A_78, %sub3A_78 : vector<16xf32>
    %add3A_83 = arith.addf %add3A_81, %mul3A_82 : vector<16xf32>
    %swap3A_84 = arith.constant 24 : index
    %swap3A_85 = tpu.vector_load %arg23[%swap3A_84] {strides = array<i32>} : memref<40xf32, #tpu.memory_space<vmem>>, vector<16xf32>,
    tpu.vector_store %arg23[%swap3A_84], %add3A_83 {strides = array<i32>} : memref<40xf32, #tpu.memory_space<vmem>>, vector<16xf32>,
    "tpu.region"() ({
      %run_scoped3A = tpu.sem_alloc : memref<!tpu.dma_semaphore, #tpu.memory_space<semaphore_mem>>
      %dma_start3A_124 = tpu.memref_slice %arg11[%mul3A_29] : memref<160000xf32, #tpu.memory_space<hbm>> -> memref<40xf32, #tpu.memory_space<hbm>>
      %dma_start3A_125 = tpu.memref_slice %arg11[%mul3A_29] : memref<160000xf32, #tpu.memory_space<hbm>> -> memref<40xf32, #tpu.memory_space<hbm>>
      tpu.enqueue_dma source(%arg23 : memref<40xf32, #tpu.memory_space<vmem>>) target(%dma_start3A_125 : memref<40xf32, #tpu.memory_space<hbm>>) target_semaphore(%run_scoped3A : memref<!tpu.dma_semaphore, #tpu.memory_space<semaphore_mem>>)
      %dma_wait3A_126 = tpu.memref_slice %arg11[%mul3A_29] : memref<160000xf32, #tpu.memory_space<hbm>> -> memref<40xf32, #tpu.memory_space<hbm>>
      %dma_wait3A_127 = tpu.memref_slice %arg11[%mul3A_29] : memref<160000xf32, #tpu.memory_space<hbm>> -> memref<40xf32, #tpu.memory_space<hbm>>
      tpu.wait_dma2 semaphore(%run_scoped3A : memref<!tpu.dma_semaphore, #tpu.memory_space<semaphore_mem>>) src(%arg23 : memref<40xf32, #tpu.memory_space<vmem>>) dst(%dma_wait3A_127 : memref<40xf32, #tpu.memory_space<hbm>>)
      tpu.yield
    }) : () -> ()
    %dma_wait3A_86 = arith.constant 0 : i32
    %dma_wait3A_87 = arith.constant 0 : i32
    %dma_wait3A_88 = tpu.memref_slice %arg2[%dma_wait3A_86, %dma_wait3A_87] : memref<10000x256xi32, #tpu.memory_space<hbm>> -> memref<10000x256xi32, #tpu.memory_space<hbm>>
    tpu.wait_indirect_dma semaphore(%arg24 : memref<!tpu.dma_semaphore, #tpu.memory_space<semaphore_mem>>) src(%dma_wait3A_88 : memref<10000x256xi32, #tpu.memory_space<hbm>>) dst(%arg16 : memref<40x256xi32, #tpu.memory_space<vmem>>)
    %dma_start3A_89 = arith.constant 0 : i32
    %dma_start3A_90 = tpu.memref_slice %arg9[%mul3A_20, %dma_start3A_89] : memref<160000x256xi32, #tpu.memory_space<hbm>> -> memref<40x256xi32, #tpu.memory_space<hbm>>
    %dma_start3A_91 = arith.constant 0 : i32
    %dma_start3A_92 = tpu.memref_slice %arg9[%mul3A_20, %dma_start3A_91] : memref<160000x256xi32, #tpu.memory_space<hbm>> -> memref<40x256xi32, #tpu.memory_space<hbm>>
    tpu.enqueue_dma source(%arg16 : memref<40x256xi32, #tpu.memory_space<vmem>>) target(%dma_start3A_92 : memref<40x256xi32, #tpu.memory_space<hbm>>) target_semaphore(%arg28 : memref<!tpu.dma_semaphore, #tpu.memory_space<semaphore_mem>>)
    %dma_wait3A_93 = arith.constant 0 : i32
    %dma_wait3A_94 = arith.constant 0 : i32
    %dma_wait3A_95 = tpu.memref_slice %arg3[%dma_wait3A_93, %dma_wait3A_94] : memref<10000x256xi32, #tpu.memory_space<hbm>> -> memref<10000x256xi32, #tpu.memory_space<hbm>>
    tpu.wait_indirect_dma semaphore(%arg25 : memref<!tpu.dma_semaphore, #tpu.memory_space<semaphore_mem>>) src(%dma_wait3A_95 : memref<10000x256xi32, #tpu.memory_space<hbm>>) dst(%arg18 : memref<40x256xi32, #tpu.memory_space<vmem>>)
    %dma_start3A_96 = arith.constant 0 : i32
    %dma_start3A_97 = tpu.memref_slice %arg10[%mul3A_20, %dma_start3A_96] : memref<160000x256xi32, #tpu.memory_space<hbm>> -> memref<40x256xi32, #tpu.memory_space<hbm>>
    %dma_start3A_98 = arith.constant 0 : i32
    %dma_start3A_99 = tpu.memref_slice %arg10[%mul3A_20, %dma_start3A_98] : memref<160000x256xi32, #tpu.memory_space<hbm>> -> memref<40x256xi32, #tpu.memory_space<hbm>>
    tpu.enqueue_dma source(%arg18 : memref<40x256xi32, #tpu.memory_space<vmem>>) target(%dma_start3A_99 : memref<40x256xi32, #tpu.memory_space<hbm>>) target_semaphore(%arg29 : memref<!tpu.dma_semaphore, #tpu.memory_space<semaphore_mem>>)
    %dma_wait3A_100 = arith.constant 0 : i32
    %dma_wait3A_101 = arith.constant 0 : i32
    %dma_wait3A_102 = tpu.memref_slice %arg9[%dma_wait3A_100, %dma_wait3A_101] : memref<160000x256xi32, #tpu.memory_space<hbm>> -> memref<40x256xi32, #tpu.memory_space<hbm>>
    %dma_wait3A_103 = arith.constant 0 : i32
    %dma_wait3A_104 = arith.constant 0 : i32
    %dma_wait3A_105 = tpu.memref_slice %arg9[%dma_wait3A_103, %dma_wait3A_104] : memref<160000x256xi32, #tpu.memory_space<hbm>> -> memref<40x256xi32, #tpu.memory_space<hbm>>
    tpu.wait_dma2 semaphore(%arg28 : memref<!tpu.dma_semaphore, #tpu.memory_space<semaphore_mem>>) src(%arg16 : memref<40x256xi32, #tpu.memory_space<vmem>>) dst(%dma_wait3A_105 : memref<40x256xi32, #tpu.memory_space<hbm>>)
    %dma_wait3A_106 = arith.constant 0 : i32
    %dma_wait3A_107 = arith.constant 0 : i32
    %dma_wait3A_108 = tpu.memref_slice %arg10[%dma_wait3A_106, %dma_wait3A_107] : memref<160000x256xi32, #tpu.memory_space<hbm>> -> memref<40x256xi32, #tpu.memory_space<hbm>>
    %dma_wait3A_109 = arith.constant 0 : i32
    %dma_wait3A_110 = arith.constant 0 : i32
    %dma_wait3A_111 = tpu.memref_slice %arg10[%dma_wait3A_109, %dma_wait3A_110] : memref<160000x256xi32, #tpu.memory_space<hbm>> -> memref<40x256xi32, #tpu.memory_space<hbm>>
    tpu.wait_dma2 semaphore(%arg29 : memref<!tpu.dma_semaphore, #tpu.memory_space<semaphore_mem>>) src(%arg18 : memref<40x256xi32, #tpu.memory_space<vmem>>) dst(%dma_wait3A_111 : memref<40x256xi32, #tpu.memory_space<hbm>>)
    %dma_wait3A_112 = arith.constant 0 : i32
    %dma_wait3A_113 = arith.constant 0 : i32
    %dma_wait3A_114 = tpu.memref_slice %arg9[%dma_wait3A_112, %dma_wait3A_113] : memref<160000x256xi32, #tpu.memory_space<hbm>> -> memref<40x256xi32, #tpu.memory_space<hbm>>
    %dma_wait3A_115 = arith.constant 0 : i32
    %dma_wait3A_116 = arith.constant 0 : i32
    %dma_wait3A_117 = tpu.memref_slice %arg9[%dma_wait3A_115, %dma_wait3A_116] : memref<160000x256xi32, #tpu.memory_space<hbm>> -> memref<40x256xi32, #tpu.memory_space<hbm>>
    tpu.wait_dma2 semaphore(%arg30 : memref<!tpu.dma_semaphore, #tpu.memory_space<semaphore_mem>>) src(%arg17 : memref<40x256xi32, #tpu.memory_space<vmem>>) dst(%dma_wait3A_117 : memref<40x256xi32, #tpu.memory_space<hbm>>)
    %dma_wait3A_118 = arith.constant 0 : i32
    %dma_wait3A_119 = arith.constant 0 : i32
    %dma_wait3A_120 = tpu.memref_slice %arg10[%dma_wait3A_118, %dma_wait3A_119] : memref<160000x256xi32, #tpu.memory_space<hbm>> -> memref<40x256xi32, #tpu.memory_space<hbm>>
    %dma_wait3A_121 = arith.constant 0 : i32
    %dma_wait3A_122 = arith.constant 0 : i32
    %dma_wait3A_123 = tpu.memref_slice %arg10[%dma_wait3A_121, %dma_wait3A_122] : memref<160000x256xi32, #tpu.memory_space<hbm>> -> memref<40x256xi32, #tpu.memory_space<hbm>>
    tpu.wait_dma2 semaphore(%arg31 : memref<!tpu.dma_semaphore, #tpu.memory_space<semaphore_mem>>) src(%arg19 : memref<40x256xi32, #tpu.memory_space<vmem>>) dst(%dma_wait3A_123 : memref<40x256xi32, #tpu.memory_space<hbm>>)
    return
  }
}

module attributes {stable_mosaic.version = 14 : i64} {
  func.func @_pre_body(%arg0: i32, %arg1: memref<2000x128xf32, #tpu.memory_space<vmem>>, %arg2: memref<2000x384xf32, #tpu.memory_space<vmem>>, %arg3: memref<512x512xbf16, #tpu.memory_space<vmem>>, %arg4: memref<512x512xbf16, #tpu.memory_space<vmem>>, %arg5: memref<1x512xf32, #tpu.memory_space<vmem>>, %arg6: memref<2000x256xi32, #tpu.memory_space<vmem>>, %arg7: memref<2000x256xi32, #tpu.memory_space<vmem>>, %arg8: memref<2000x1xf32, #tpu.memory_space<vmem>>, %arg9: memref<2000x1xf32, #tpu.memory_space<vmem>>, %arg10: memref<2000x1xf32, #tpu.memory_space<vmem>>) attributes {dimension_semantics = [#tpu.dimension_semantics<parallel>], iteration_bounds = array<i64: 5>, scalar_prefetch = 0 : i64, scratch_operands = 0 : i64, tpu.core_type = #tpu.core_type<tc>, window_params = [{transform_indices = @transform_0, window_bounds = array<i64: 2000, 128>}, {transform_indices = @transform_1, window_bounds = array<i64: 2000, 384>}, {pipeline_mode = #tpu.pipeline_mode<synchronous>, transform_indices = @transform_2, window_bounds = array<i64: 512, 512>}, {pipeline_mode = #tpu.pipeline_mode<synchronous>, transform_indices = @transform_3, window_bounds = array<i64: 512, 512>}, {pipeline_mode = #tpu.pipeline_mode<synchronous>, transform_indices = @transform_4, window_bounds = array<i64: 1, 512>}, {transform_indices = @transform_5, window_bounds = array<i64: 2000, 256>}, {transform_indices = @transform_6, window_bounds = array<i64: 2000, 256>}, {transform_indices = @transform_7, window_bounds = array<i64: 2000, 1>}, {transform_indices = @transform_8, window_bounds = array<i64: 2000, 1>}, {transform_indices = @transform_9, window_bounds = array<i64: 2000, 1>}]} {
    %get3A = arith.constant 0 : index
    %get3A_0 = arith.constant 0 : index
    %get3A_1 = vector.load %arg1[%get3A, %get3A_0] : memref<2000x128xf32, #tpu.memory_space<vmem>>, vector<2000x128xf32>
    %get3A_2 = arith.constant 0 : index
    %get3A_3 = arith.constant 0 : index
    %get3A_4 = vector.load %arg2[%get3A_2, %get3A_3] : memref<2000x384xf32, #tpu.memory_space<vmem>>, vector<2000x384xf32>
    %concatenate3A = tpu.concatenate %get3A_1, %get3A_4 in 1 : vector<2000x128xf32>, vector<2000x384xf32> -> vector<2000x512xf32>
    %convert_element_type3A = arith.truncf %concatenate3A : vector<2000x512xf32> to vector<2000x512xbf16>
    %get3A_5 = arith.constant 0 : index
    %get3A_6 = arith.constant 0 : index
    %get3A_7 = vector.load %arg2[%get3A_5, %get3A_6] : memref<2000x384xf32, #tpu.memory_space<vmem>>, vector<2000x128xf32>
    %reduce_sum3A = arith.constant dense<0.000000e+00> : vector<2000xf32>
    %reduce_sum3A_8 = vector.multi_reduction <add>, %get3A_7, %reduce_sum3A [1] : vector<2000x128xf32> to vector<2000xf32>
    %broadcast_in_dim3A = vector.shape_cast %reduce_sum3A_8 : vector<2000xf32> to vector<2000x1xf32>
    %div3A = arith.constant 1.280000e+02 : f32
    %div3A_9 = vector.broadcast %div3A : f32 to vector<2000x1xf32>
    %div3A_10 = arith.divf %broadcast_in_dim3A, %div3A_9 : vector<2000x1xf32>
    %swap3A = arith.constant 0 : index
    %swap3A_11 = arith.constant 0 : index
    %swap3A_12 = vector.load %arg8[%swap3A, %swap3A_11] : memref<2000x1xf32, #tpu.memory_space<vmem>>, vector<2000x1xf32>
    tpu.vector_store %arg8[%swap3A, %swap3A_11], %div3A_10 {strides = array<i32>} : memref<2000x1xf32, #tpu.memory_space<vmem>>, vector<2000x1xf32>,
    %get3A_13 = arith.constant 0 : index
    %get3A_14 = arith.constant 128 : index
    %get3A_15 = vector.load %arg2[%get3A_13, %get3A_14] : memref<2000x384xf32, #tpu.memory_space<vmem>>, vector<2000x128xf32>
    %reduce_sum3A_16 = arith.constant dense<0.000000e+00> : vector<2000xf32>
    %reduce_sum3A_17 = vector.multi_reduction <add>, %get3A_15, %reduce_sum3A_16 [1] : vector<2000x128xf32> to vector<2000xf32>
    %broadcast_in_dim3A_18 = vector.shape_cast %reduce_sum3A_17 : vector<2000xf32> to vector<2000x1xf32>
    %div3A_19 = arith.constant 1.280000e+02 : f32
    %div3A_20 = vector.broadcast %div3A_19 : f32 to vector<2000x1xf32>
    %div3A_21 = arith.divf %broadcast_in_dim3A_18, %div3A_20 : vector<2000x1xf32>
    %swap3A_22 = arith.constant 0 : index
    %swap3A_23 = arith.constant 0 : index
    %swap3A_24 = vector.load %arg9[%swap3A_22, %swap3A_23] : memref<2000x1xf32, #tpu.memory_space<vmem>>, vector<2000x1xf32>
    tpu.vector_store %arg9[%swap3A_22, %swap3A_23], %div3A_21 {strides = array<i32>} : memref<2000x1xf32, #tpu.memory_space<vmem>>, vector<2000x1xf32>,
    %get3A_25 = arith.constant 0 : index
    %get3A_26 = arith.constant 256 : index
    %get3A_27 = vector.load %arg2[%get3A_25, %get3A_26] : memref<2000x384xf32, #tpu.memory_space<vmem>>, vector<2000x128xf32>
    %reduce_sum3A_28 = arith.constant dense<0.000000e+00> : vector<2000xf32>
    %reduce_sum3A_29 = vector.multi_reduction <add>, %get3A_27, %reduce_sum3A_28 [1] : vector<2000x128xf32> to vector<2000xf32>
    %broadcast_in_dim3A_30 = vector.shape_cast %reduce_sum3A_29 : vector<2000xf32> to vector<2000x1xf32>
    %div3A_31 = arith.constant 1.280000e+02 : f32
    %div3A_32 = vector.broadcast %div3A_31 : f32 to vector<2000x1xf32>
    %div3A_33 = arith.divf %broadcast_in_dim3A_30, %div3A_32 : vector<2000x1xf32>
    %swap3A_34 = arith.constant 0 : index
    %swap3A_35 = arith.constant 0 : index
    %swap3A_36 = vector.load %arg10[%swap3A_34, %swap3A_35] : memref<2000x1xf32, #tpu.memory_space<vmem>>, vector<2000x1xf32>
    tpu.vector_store %arg10[%swap3A_34, %swap3A_35], %div3A_33 {strides = array<i32>} : memref<2000x1xf32, #tpu.memory_space<vmem>>, vector<2000x1xf32>,
    %get3A_37 = arith.constant 0 : index
    %get3A_38 = arith.constant 0 : index
    %get3A_39 = vector.load %arg3[%get3A_37, %get3A_38] : memref<512x512xbf16, #tpu.memory_space<vmem>>, vector<512x512xbf16>
    %dot_general3A = arith.constant dense<0.000000e+00> : vector<2000x512xf32>
    %dot_general3A_40 = tpu.matmul %convert_element_type3A, %get3A_39, %dot_general3A {dimension_numbers = #tpu.dot_dimension_numbers<[1], [0], [0], [1], [0, 0, 1, 1], [], []>, transpose_lhs_hint = false} : vector<2000x512xbf16>, vector<512x512xbf16>, vector<2000x512xf32> -> vector<2000x512xf32>
    %get3A_41 = arith.constant 0 : index
    %get3A_42 = arith.constant 0 : index
    %get3A_43 = vector.load %arg5[%get3A_41, %get3A_42] : memref<1x512xf32, #tpu.memory_space<vmem>>, vector<1x512xf32>
    %add3A = vector.broadcast %get3A_43 : vector<1x512xf32> to vector<2000x512xf32>
    %add3A_44 = arith.addf %dot_general3A_40, %add3A : vector<2000x512xf32>
    %get3A_45 = arith.constant 0 : index
    %get3A_46 = arith.constant 0 : index
    %get3A_47 = vector.load %arg4[%get3A_45, %get3A_46] : memref<512x512xbf16, #tpu.memory_space<vmem>>, vector<512x512xbf16>
    %dot_general3A_48 = arith.constant dense<0.000000e+00> : vector<2000x512xf32>
    %dot_general3A_49 = tpu.matmul %convert_element_type3A, %get3A_47, %dot_general3A_48 {dimension_numbers = #tpu.dot_dimension_numbers<[1], [0], [0], [1], [0, 0, 1, 1], [], []>, transpose_lhs_hint = false} : vector<2000x512xbf16>, vector<512x512xbf16>, vector<2000x512xf32> -> vector<2000x512xf32>
    %slice3A = vector.extract_strided_slice %add3A_44 {offsets = [0, 0], sizes = [2000, 256], strides = [1, 1]} : vector<2000x512xf32> to vector<2000x256xf32>
    %bitcast_convert_type3A = tpu.bitcast %slice3A : vector<2000x256xf32> -> vector<2000x256xi32>
    %slice3A_50 = vector.extract_strided_slice %add3A_44 {offsets = [0, 256], sizes = [2000, 256], strides = [1, 1]} : vector<2000x512xf32> to vector<2000x256xf32>
    %bitcast_convert_type3A_51 = tpu.bitcast %slice3A_50 : vector<2000x256xf32> -> vector<2000x256xi32>
    %add3A_52 = arith.constant 32767 : i32
    %add3A_53 = vector.broadcast %add3A_52 : i32 to vector<2000x256xi32>
    %add3A_54 = arith.addi %bitcast_convert_type3A_51, %add3A_53 : vector<2000x256xi32>
    %shift_right_arithmetic3A = arith.constant 16 : i32
    %shift_right_arithmetic3A_55 = vector.broadcast %shift_right_arithmetic3A : i32 to vector<2000x256xi32>
    %shift_right_arithmetic3A_56 = arith.shrsi %bitcast_convert_type3A_51, %shift_right_arithmetic3A_55 : vector<2000x256xi32>
    %and3A = arith.constant 1 : i32
    %and3A_57 = vector.broadcast %and3A : i32 to vector<2000x256xi32>
    %and3A_58 = arith.andi %shift_right_arithmetic3A_56, %and3A_57 : vector<2000x256xi32>
    %add3A_59 = arith.addi %add3A_54, %and3A_58 : vector<2000x256xi32>
    %and3A_60 = arith.constant -65536 : i32
    %and3A_61 = vector.broadcast %and3A_60 : i32 to vector<2000x256xi32>
    %and3A_62 = arith.andi %add3A_59, %and3A_61 : vector<2000x256xi32>
    %add3A_63 = arith.constant 32767 : i32
    %add3A_64 = vector.broadcast %add3A_63 : i32 to vector<2000x256xi32>
    %add3A_65 = arith.addi %bitcast_convert_type3A, %add3A_64 : vector<2000x256xi32>
    %shift_right_arithmetic3A_66 = arith.constant 16 : i32
    %shift_right_arithmetic3A_67 = vector.broadcast %shift_right_arithmetic3A_66 : i32 to vector<2000x256xi32>
    %shift_right_arithmetic3A_68 = arith.shrsi %bitcast_convert_type3A, %shift_right_arithmetic3A_67 : vector<2000x256xi32>
    %and3A_69 = arith.constant 1 : i32
    %and3A_70 = vector.broadcast %and3A_69 : i32 to vector<2000x256xi32>
    %and3A_71 = arith.andi %shift_right_arithmetic3A_68, %and3A_70 : vector<2000x256xi32>
    %add3A_72 = arith.addi %add3A_65, %and3A_71 : vector<2000x256xi32>
    %shift_right_arithmetic3A_73 = arith.constant 16 : i32
    %shift_right_arithmetic3A_74 = vector.broadcast %shift_right_arithmetic3A_73 : i32 to vector<2000x256xi32>
    %shift_right_arithmetic3A_75 = arith.shrsi %add3A_72, %shift_right_arithmetic3A_74 : vector<2000x256xi32>
    %and3A_76 = arith.constant 65535 : i32
    %and3A_77 = vector.broadcast %and3A_76 : i32 to vector<2000x256xi32>
    %and3A_78 = arith.andi %shift_right_arithmetic3A_75, %and3A_77 : vector<2000x256xi32>
    %or3A = arith.ori %and3A_62, %and3A_78 : vector<2000x256xi32>
    %swap3A_79 = arith.constant 0 : index
    %swap3A_80 = arith.constant 0 : index
    %swap3A_81 = vector.load %arg6[%swap3A_79, %swap3A_80] : memref<2000x256xi32, #tpu.memory_space<vmem>>, vector<2000x256xi32>
    tpu.vector_store %arg6[%swap3A_79, %swap3A_80], %or3A {strides = array<i32>} : memref<2000x256xi32, #tpu.memory_space<vmem>>, vector<2000x256xi32>,
    %slice3A_82 = vector.extract_strided_slice %dot_general3A_49 {offsets = [0, 0], sizes = [2000, 256], strides = [1, 1]} : vector<2000x512xf32> to vector<2000x256xf32>
    %bitcast_convert_type3A_83 = tpu.bitcast %slice3A_82 : vector<2000x256xf32> -> vector<2000x256xi32>
    %slice3A_84 = vector.extract_strided_slice %dot_general3A_49 {offsets = [0, 256], sizes = [2000, 256], strides = [1, 1]} : vector<2000x512xf32> to vector<2000x256xf32>
    %bitcast_convert_type3A_85 = tpu.bitcast %slice3A_84 : vector<2000x256xf32> -> vector<2000x256xi32>
    %add3A_86 = arith.constant 32767 : i32
    %add3A_87 = vector.broadcast %add3A_86 : i32 to vector<2000x256xi32>
    %add3A_88 = arith.addi %bitcast_convert_type3A_85, %add3A_87 : vector<2000x256xi32>
    %shift_right_arithmetic3A_89 = arith.constant 16 : i32
    %shift_right_arithmetic3A_90 = vector.broadcast %shift_right_arithmetic3A_89 : i32 to vector<2000x256xi32>
    %shift_right_arithmetic3A_91 = arith.shrsi %bitcast_convert_type3A_85, %shift_right_arithmetic3A_90 : vector<2000x256xi32>
    %and3A_92 = arith.constant 1 : i32
    %and3A_93 = vector.broadcast %and3A_92 : i32 to vector<2000x256xi32>
    %and3A_94 = arith.andi %shift_right_arithmetic3A_91, %and3A_93 : vector<2000x256xi32>
    %add3A_95 = arith.addi %add3A_88, %and3A_94 : vector<2000x256xi32>
    %and3A_96 = arith.constant -65536 : i32
    %and3A_97 = vector.broadcast %and3A_96 : i32 to vector<2000x256xi32>
    %and3A_98 = arith.andi %add3A_95, %and3A_97 : vector<2000x256xi32>
    %add3A_99 = arith.constant 32767 : i32
    %add3A_100 = vector.broadcast %add3A_99 : i32 to vector<2000x256xi32>
    %add3A_101 = arith.addi %bitcast_convert_type3A_83, %add3A_100 : vector<2000x256xi32>
    %shift_right_arithmetic3A_102 = arith.constant 16 : i32
    %shift_right_arithmetic3A_103 = vector.broadcast %shift_right_arithmetic3A_102 : i32 to vector<2000x256xi32>
    %shift_right_arithmetic3A_104 = arith.shrsi %bitcast_convert_type3A_83, %shift_right_arithmetic3A_103 : vector<2000x256xi32>
    %and3A_105 = arith.constant 1 : i32
    %and3A_106 = vector.broadcast %and3A_105 : i32 to vector<2000x256xi32>
    %and3A_107 = arith.andi %shift_right_arithmetic3A_104, %and3A_106 : vector<2000x256xi32>
    %add3A_108 = arith.addi %add3A_101, %and3A_107 : vector<2000x256xi32>
    %shift_right_arithmetic3A_109 = arith.constant 16 : i32
    %shift_right_arithmetic3A_110 = vector.broadcast %shift_right_arithmetic3A_109 : i32 to vector<2000x256xi32>
    %shift_right_arithmetic3A_111 = arith.shrsi %add3A_108, %shift_right_arithmetic3A_110 : vector<2000x256xi32>
    %and3A_112 = arith.constant 65535 : i32
    %and3A_113 = vector.broadcast %and3A_112 : i32 to vector<2000x256xi32>
    %and3A_114 = arith.andi %shift_right_arithmetic3A_111, %and3A_113 : vector<2000x256xi32>
    %or3A_115 = arith.ori %and3A_98, %and3A_114 : vector<2000x256xi32>
    %swap3A_116 = arith.constant 0 : index
    %swap3A_117 = arith.constant 0 : index
    %swap3A_118 = vector.load %arg7[%swap3A_116, %swap3A_117] : memref<2000x256xi32, #tpu.memory_space<vmem>>, vector<2000x256xi32>
    tpu.vector_store %arg7[%swap3A_116, %swap3A_117], %or3A_115 {strides = array<i32>} : memref<2000x256xi32, #tpu.memory_space<vmem>>, vector<2000x256xi32>,
    return
  }
  func.func @transform_0(%arg0: i32) -> (i32, i32) {
    %c0_i32 = arith.constant 0 : i32
    %c0_i32_0 = arith.constant 0 : i32
    return %arg0, %c0_i32 : i32, i32
  }
  func.func @transform_1(%arg0: i32) -> (i32, i32) {
    %c0_i32 = arith.constant 0 : i32
    %c0_i32_0 = arith.constant 0 : i32
    return %arg0, %c0_i32 : i32, i32
  }
  func.func @transform_2(%arg0: i32) -> (i32, i32) {
    %c0_i32 = arith.constant 0 : i32
    %c0_i32_0 = arith.constant 0 : i32
    %c0_i32_1 = arith.constant 0 : i32
    return %c0_i32, %c0_i32_0 : i32, i32
  }
  func.func @transform_3(%arg0: i32) -> (i32, i32) {
    %c0_i32 = arith.constant 0 : i32
    %c0_i32_0 = arith.constant 0 : i32
    %c0_i32_1 = arith.constant 0 : i32
    return %c0_i32, %c0_i32_0 : i32, i32
  }
  func.func @transform_4(%arg0: i32) -> (i32, i32) {
    %c0_i32 = arith.constant 0 : i32
    %c0_i32_0 = arith.constant 0 : i32
    %c0_i32_1 = arith.constant 0 : i32
    return %c0_i32, %c0_i32_0 : i32, i32
  }
  func.func @transform_5(%arg0: i32) -> (i32, i32) {
    %c0_i32 = arith.constant 0 : i32
    %c0_i32_0 = arith.constant 0 : i32
    return %arg0, %c0_i32 : i32, i32
  }
  func.func @transform_6(%arg0: i32) -> (i32, i32) {
    %c0_i32 = arith.constant 0 : i32
    %c0_i32_0 = arith.constant 0 : i32
    return %arg0, %c0_i32 : i32, i32
  }
  func.func @transform_7(%arg0: i32) -> (i32, i32) {
    %c0_i32 = arith.constant 0 : i32
    %c0_i32_0 = arith.constant 0 : i32
    return %arg0, %c0_i32 : i32, i32
  }
  func.func @transform_8(%arg0: i32) -> (i32, i32) {
    %c0_i32 = arith.constant 0 : i32
    %c0_i32_0 = arith.constant 0 : i32
    return %arg0, %c0_i32 : i32, i32
  }
  func.func @transform_9(%arg0: i32) -> (i32, i32) {
    %c0_i32 = arith.constant 0 : i32
    %c0_i32_0 = arith.constant 0 : i32
    return %arg0, %c0_i32 : i32, i32
  }
}

module attributes {stable_mosaic.version = 14 : i64} {
  func.func @_mlp_body(%arg0: i32, %arg1: memref<2000x256xi32, #tpu.memory_space<vmem>>, %arg2: memref<2000x256xi32, #tpu.memory_space<vmem>>, %arg3: memref<2000x1xf32, #tpu.memory_space<vmem>>, %arg4: memref<1x512xf32, #tpu.memory_space<vmem>>, %arg5: memref<512x512xbf16, #tpu.memory_space<vmem>>, %arg6: memref<1x512xf32, #tpu.memory_space<vmem>>, %arg7: memref<4x2000x128xf32, #tpu.memory_space<vmem>>) attributes {dimension_semantics = [#tpu.dimension_semantics<parallel>], iteration_bounds = array<i64: 80>, scalar_prefetch = 0 : i64, scratch_operands = 0 : i64, tpu.core_type = #tpu.core_type<tc>, window_params = [{transform_indices = @transform_0, window_bounds = array<i64: 2000, 256>}, {transform_indices = @transform_1, window_bounds = array<i64: 2000, 256>}, {transform_indices = @transform_2, window_bounds = array<i64: 2000, 1>}, {pipeline_mode = #tpu.pipeline_mode<synchronous>, transform_indices = @transform_3, window_bounds = array<i64: 1, 512>}, {pipeline_mode = #tpu.pipeline_mode<synchronous>, transform_indices = @transform_4, window_bounds = array<i64: 512, 512>}, {pipeline_mode = #tpu.pipeline_mode<synchronous>, transform_indices = @transform_5, window_bounds = array<i64: 1, 512>}, {transform_indices = @transform_6, window_bounds = array<i64: 4, 2000, 128>}]} {
    %get3A = arith.constant 0 : index
    %get3A_0 = arith.constant 0 : index
    %get3A_1 = vector.load %arg3[%get3A, %get3A_0] : memref<2000x1xf32, #tpu.memory_space<vmem>>, vector<2000x1xf32>
    %add3A = arith.constant 9.99999996E-13 : f32
    %add3A_2 = vector.broadcast %add3A : f32 to vector<2000x1xf32>
    %add3A_3 = arith.addf %get3A_1, %add3A_2 : vector<2000x1xf32>
    %sqrt3A = math.sqrt %add3A_3 : vector<2000x1xf32>
    %get3A_4 = arith.constant 0 : index
    %get3A_5 = arith.constant 0 : index
    %get3A_6 = vector.load %arg1[%get3A_4, %get3A_5] : memref<2000x256xi32, #tpu.memory_space<vmem>>, vector<2000x256xi32>
    %shift_left3A = arith.constant 16 : i32
    %shift_left3A_7 = vector.broadcast %shift_left3A : i32 to vector<2000x256xi32>
    %shift_left3A_8 = arith.shli %get3A_6, %shift_left3A_7 : vector<2000x256xi32>
    %bitcast_convert_type3A = tpu.bitcast %shift_left3A_8 : vector<2000x256xi32> -> vector<2000x256xf32>
    %and3A = arith.constant -65536 : i32
    %and3A_9 = vector.broadcast %and3A : i32 to vector<2000x256xi32>
    %and3A_10 = arith.andi %get3A_6, %and3A_9 : vector<2000x256xi32>
    %bitcast_convert_type3A_11 = tpu.bitcast %and3A_10 : vector<2000x256xi32> -> vector<2000x256xf32>
    %get3A_12 = arith.constant 0 : index
    %get3A_13 = arith.constant 0 : index
    %get3A_14 = vector.load %arg2[%get3A_12, %get3A_13] : memref<2000x256xi32, #tpu.memory_space<vmem>>, vector<2000x256xi32>
    %shift_left3A_15 = arith.constant 16 : i32
    %shift_left3A_16 = vector.broadcast %shift_left3A_15 : i32 to vector<2000x256xi32>
    %shift_left3A_17 = arith.shli %get3A_14, %shift_left3A_16 : vector<2000x256xi32>
    %bitcast_convert_type3A_18 = tpu.bitcast %shift_left3A_17 : vector<2000x256xi32> -> vector<2000x256xf32>
    %and3A_19 = arith.constant -65536 : i32
    %and3A_20 = vector.broadcast %and3A_19 : i32 to vector<2000x256xi32>
    %and3A_21 = arith.andi %get3A_14, %and3A_20 : vector<2000x256xi32>
    %bitcast_convert_type3A_22 = tpu.bitcast %and3A_21 : vector<2000x256xi32> -> vector<2000x256xf32>
    %get3A_23 = arith.constant 0 : index
    %get3A_24 = arith.constant 0 : index
    %get3A_25 = vector.load %arg4[%get3A_23, %get3A_24] : memref<1x512xf32, #tpu.memory_space<vmem>>, vector<1x512xf32>
    %add3A_26 = arith.addf %bitcast_convert_type3A, %bitcast_convert_type3A_18 : vector<2000x256xf32>
    %slice3A = vector.extract_strided_slice %get3A_25 {offsets = [0, 0], sizes = [1, 256], strides = [1, 1]} : vector<1x512xf32> to vector<1x256xf32>
    %mul3A = vector.broadcast %sqrt3A : vector<2000x1xf32> to vector<2000x256xf32>
    %mul3A_27 = vector.broadcast %slice3A : vector<1x256xf32> to vector<2000x256xf32>
    %mul3A_28 = arith.mulf %mul3A, %mul3A_27 : vector<2000x256xf32>
    %add3A_29 = arith.addf %add3A_26, %mul3A_28 : vector<2000x256xf32>
    %add3A_30 = arith.addf %bitcast_convert_type3A_11, %bitcast_convert_type3A_22 : vector<2000x256xf32>
    %slice3A_31 = vector.extract_strided_slice %get3A_25 {offsets = [0, 256], sizes = [1, 256], strides = [1, 1]} : vector<1x512xf32> to vector<1x256xf32>
    %mul3A_32 = vector.broadcast %sqrt3A : vector<2000x1xf32> to vector<2000x256xf32>
    %mul3A_33 = vector.broadcast %slice3A_31 : vector<1x256xf32> to vector<2000x256xf32>
    %mul3A_34 = arith.mulf %mul3A_32, %mul3A_33 : vector<2000x256xf32>
    %add3A_35 = arith.addf %add3A_30, %mul3A_34 : vector<2000x256xf32>
    %concatenate3A = tpu.concatenate %add3A_29, %add3A_35 in 1 : vector<2000x256xf32>, vector<2000x256xf32> -> vector<2000x512xf32>
    %logistic3A = arith.negf %concatenate3A : vector<2000x512xf32>
    %logistic3A_36 = math.exp %logistic3A : vector<2000x512xf32>
    %logistic3A_37 = arith.constant 1.000000e+00 : f32
    %logistic3A_38 = vector.broadcast %logistic3A_37 : f32 to vector<2000x512xf32>
    %logistic3A_39 = arith.addf %logistic3A_38, %logistic3A_36 : vector<2000x512xf32>
    %logistic3A_40 = arith.divf %logistic3A_38, %logistic3A_39 : vector<2000x512xf32>
    %mul3A_41 = arith.mulf %concatenate3A, %logistic3A_40 : vector<2000x512xf32>
    %convert_element_type3A = arith.truncf %mul3A_41 : vector<2000x512xf32> to vector<2000x512xbf16>
    %get3A_42 = arith.constant 0 : index
    %get3A_43 = arith.constant 0 : index
    %get3A_44 = vector.load %arg5[%get3A_42, %get3A_43] : memref<512x512xbf16, #tpu.memory_space<vmem>>, vector<512x512xbf16>
    %dot_general3A = arith.constant dense<0.000000e+00> : vector<2000x512xf32>
    %dot_general3A_45 = tpu.matmul %convert_element_type3A, %get3A_44, %dot_general3A {dimension_numbers = #tpu.dot_dimension_numbers<[1], [0], [0], [1], [0, 0, 1, 1], [], []>, transpose_lhs_hint = false} : vector<2000x512xbf16>, vector<512x512xbf16>, vector<2000x512xf32> -> vector<2000x512xf32>
    %get3A_46 = arith.constant 0 : index
    %get3A_47 = arith.constant 0 : index
    %get3A_48 = vector.load %arg6[%get3A_46, %get3A_47] : memref<1x512xf32, #tpu.memory_space<vmem>>, vector<1x512xf32>
    %add3A_49 = vector.broadcast %get3A_48 : vector<1x512xf32> to vector<2000x512xf32>
    %add3A_50 = arith.addf %dot_general3A_45, %add3A_49 : vector<2000x512xf32>
    %logistic3A_51 = arith.negf %add3A_50 : vector<2000x512xf32>
    %logistic3A_52 = math.exp %logistic3A_51 : vector<2000x512xf32>
    %logistic3A_53 = arith.constant 1.000000e+00 : f32
    %logistic3A_54 = vector.broadcast %logistic3A_53 : f32 to vector<2000x512xf32>
    %logistic3A_55 = arith.addf %logistic3A_54, %logistic3A_52 : vector<2000x512xf32>
    %logistic3A_56 = arith.divf %logistic3A_54, %logistic3A_55 : vector<2000x512xf32>
    %mul3A_57 = arith.mulf %add3A_50, %logistic3A_56 : vector<2000x512xf32>
    %slice3A_58 = vector.extract_strided_slice %mul3A_57 {offsets = [0, 0], sizes = [2000, 128], strides = [1, 1]} : vector<2000x512xf32> to vector<2000x128xf32>
    %swap3A = arith.constant 0 : index
    %swap3A_59 = arith.constant 0 : index
    %swap3A_60 = arith.constant 0 : index
    %swap3A_61 = vector.load %arg7[%swap3A, %swap3A_59, %swap3A_60] : memref<4x2000x128xf32, #tpu.memory_space<vmem>>, vector<1x2000x128xf32>
    %swap3A_62 = vector.shape_cast %swap3A_61 : vector<1x2000x128xf32> to vector<2000x128xf32>
    %swap3A_63 = vector.shape_cast %slice3A_58 : vector<2000x128xf32> to vector<1x2000x128xf32>
    tpu.vector_store %arg7[%swap3A, %swap3A_59, %swap3A_60], %swap3A_63 {strides = array<i32>} : memref<4x2000x128xf32, #tpu.memory_space<vmem>>, vector<1x2000x128xf32>,
    %slice3A_64 = vector.extract_strided_slice %mul3A_57 {offsets = [0, 128], sizes = [2000, 128], strides = [1, 1]} : vector<2000x512xf32> to vector<2000x128xf32>
    %swap3A_65 = arith.constant 1 : index
    %swap3A_66 = arith.constant 0 : index
    %swap3A_67 = arith.constant 0 : index
    %swap3A_68 = vector.load %arg7[%swap3A_65, %swap3A_66, %swap3A_67] : memref<4x2000x128xf32, #tpu.memory_space<vmem>>, vector<1x2000x128xf32>
    %swap3A_69 = vector.shape_cast %swap3A_68 : vector<1x2000x128xf32> to vector<2000x128xf32>
    %swap3A_70 = vector.shape_cast %slice3A_64 : vector<2000x128xf32> to vector<1x2000x128xf32>
    tpu.vector_store %arg7[%swap3A_65, %swap3A_66, %swap3A_67], %swap3A_70 {strides = array<i32>} : memref<4x2000x128xf32, #tpu.memory_space<vmem>>, vector<1x2000x128xf32>,
    %slice3A_71 = vector.extract_strided_slice %mul3A_57 {offsets = [0, 256], sizes = [2000, 128], strides = [1, 1]} : vector<2000x512xf32> to vector<2000x128xf32>
    %swap3A_72 = arith.constant 2 : index
    %swap3A_73 = arith.constant 0 : index
    %swap3A_74 = arith.constant 0 : index
    %swap3A_75 = vector.load %arg7[%swap3A_72, %swap3A_73, %swap3A_74] : memref<4x2000x128xf32, #tpu.memory_space<vmem>>, vector<1x2000x128xf32>
    %swap3A_76 = vector.shape_cast %swap3A_75 : vector<1x2000x128xf32> to vector<2000x128xf32>
    %swap3A_77 = vector.shape_cast %slice3A_71 : vector<2000x128xf32> to vector<1x2000x128xf32>
    tpu.vector_store %arg7[%swap3A_72, %swap3A_73, %swap3A_74], %swap3A_77 {strides = array<i32>} : memref<4x2000x128xf32, #tpu.memory_space<vmem>>, vector<1x2000x128xf32>,
    %slice3A_78 = vector.extract_strided_slice %mul3A_57 {offsets = [0, 384], sizes = [2000, 128], strides = [1, 1]} : vector<2000x512xf32> to vector<2000x128xf32>
    %swap3A_79 = arith.constant 3 : index
    %swap3A_80 = arith.constant 0 : index
    %swap3A_81 = arith.constant 0 : index
    %swap3A_82 = vector.load %arg7[%swap3A_79, %swap3A_80, %swap3A_81] : memref<4x2000x128xf32, #tpu.memory_space<vmem>>, vector<1x2000x128xf32>
    %swap3A_83 = vector.shape_cast %swap3A_82 : vector<1x2000x128xf32> to vector<2000x128xf32>
    %swap3A_84 = vector.shape_cast %slice3A_78 : vector<2000x128xf32> to vector<1x2000x128xf32>
    tpu.vector_store %arg7[%swap3A_79, %swap3A_80, %swap3A_81], %swap3A_84 {strides = array<i32>} : memref<4x2000x128xf32, #tpu.memory_space<vmem>>, vector<1x2000x128xf32>,
    return
  }
  func.func @transform_0(%arg0: i32) -> (i32, i32) {
    %c0_i32 = arith.constant 0 : i32
    %c0_i32_0 = arith.constant 0 : i32
    return %arg0, %c0_i32 : i32, i32
  }
  func.func @transform_1(%arg0: i32) -> (i32, i32) {
    %c0_i32 = arith.constant 0 : i32
    %c0_i32_0 = arith.constant 0 : i32
    return %arg0, %c0_i32 : i32, i32
  }
  func.func @transform_2(%arg0: i32) -> (i32, i32) {
    %c0_i32 = arith.constant 0 : i32
    %c0_i32_0 = arith.constant 0 : i32
    return %arg0, %c0_i32 : i32, i32
  }
  func.func @transform_3(%arg0: i32) -> (i32, i32) {
    %c0_i32 = arith.constant 0 : i32
    %c0_i32_0 = arith.constant 0 : i32
    %c0_i32_1 = arith.constant 0 : i32
    return %c0_i32, %c0_i32_0 : i32, i32
  }
  func.func @transform_4(%arg0: i32) -> (i32, i32) {
    %c0_i32 = arith.constant 0 : i32
    %c0_i32_0 = arith.constant 0 : i32
    %c0_i32_1 = arith.constant 0 : i32
    return %c0_i32, %c0_i32_0 : i32, i32
  }
  func.func @transform_5(%arg0: i32) -> (i32, i32) {
    %c0_i32 = arith.constant 0 : i32
    %c0_i32_0 = arith.constant 0 : i32
    %c0_i32_1 = arith.constant 0 : i32
    return %c0_i32, %c0_i32_0 : i32, i32
  }
  func.func @transform_6(%arg0: i32) -> (i32, i32, i32) {
    %c0_i32 = arith.constant 0 : i32
    %c0_i32_0 = arith.constant 0 : i32
    %c0_i32_1 = arith.constant 0 : i32
    return %c0_i32, %arg0, %c0_i32_0 : i32, i32, i32
  }
}

module attributes {stable_mosaic.version = 14 : i64} {
  func.func @_final_body(%arg0: i32, %arg1: memref<2000x128xf32, #tpu.memory_space<vmem>>, %arg2: memref<2000x384xf32, #tpu.memory_space<vmem>>, %arg3: memref<4x2000x128xf32, #tpu.memory_space<vmem>>, %arg4: memref<512x512xbf16, #tpu.memory_space<vmem>>, %arg5: memref<512x512xbf16, #tpu.memory_space<vmem>>, %arg6: memref<1x512xf32, #tpu.memory_space<vmem>>, %arg7: memref<512x512xbf16, #tpu.memory_space<vmem>>, %arg8: memref<1x512xf32, #tpu.memory_space<vmem>>, %arg9: memref<2000x512xf32, #tpu.memory_space<vmem>>) attributes {dimension_semantics = [#tpu.dimension_semantics<parallel>], iteration_bounds = array<i64: 5>, scalar_prefetch = 0 : i64, scratch_operands = 0 : i64, tpu.core_type = #tpu.core_type<tc>, window_params = [{transform_indices = @transform_0, window_bounds = array<i64: 2000, 128>}, {transform_indices = @transform_1, window_bounds = array<i64: 2000, 384>}, {transform_indices = @transform_2, window_bounds = array<i64: 4, 2000, 128>}, {pipeline_mode = #tpu.pipeline_mode<synchronous>, transform_indices = @transform_3, window_bounds = array<i64: 512, 512>}, {pipeline_mode = #tpu.pipeline_mode<synchronous>, transform_indices = @transform_4, window_bounds = array<i64: 512, 512>}, {pipeline_mode = #tpu.pipeline_mode<synchronous>, transform_indices = @transform_5, window_bounds = array<i64: 1, 512>}, {pipeline_mode = #tpu.pipeline_mode<synchronous>, transform_indices = @transform_6, window_bounds = array<i64: 512, 512>}, {pipeline_mode = #tpu.pipeline_mode<synchronous>, transform_indices = @transform_7, window_bounds = array<i64: 1, 512>}, {transform_indices = @transform_8, window_bounds = array<i64: 2000, 512>}]} {
    %get3A = arith.constant 0 : index
    %get3A_0 = arith.constant 0 : index
    %get3A_1 = vector.load %arg1[%get3A, %get3A_0] : memref<2000x128xf32, #tpu.memory_space<vmem>>, vector<2000x128xf32>
    %get3A_2 = arith.constant 0 : index
    %get3A_3 = arith.constant 0 : index
    %get3A_4 = vector.load %arg2[%get3A_2, %get3A_3] : memref<2000x384xf32, #tpu.memory_space<vmem>>, vector<2000x384xf32>
    %concatenate3A = tpu.concatenate %get3A_1, %get3A_4 in 1 : vector<2000x128xf32>, vector<2000x384xf32> -> vector<2000x512xf32>
    %convert_element_type3A = arith.truncf %concatenate3A : vector<2000x512xf32> to vector<2000x512xbf16>
    %get3A_5 = arith.constant 0 : index
    %get3A_6 = arith.constant 0 : index
    %get3A_7 = arith.constant 0 : index
    %get3A_8 = vector.load %arg3[%get3A_5, %get3A_6, %get3A_7] : memref<4x2000x128xf32, #tpu.memory_space<vmem>>, vector<1x2000x128xf32>
    %get3A_9 = vector.shape_cast %get3A_8 : vector<1x2000x128xf32> to vector<2000x128xf32>
    %get3A_10 = arith.constant 1 : index
    %get3A_11 = arith.constant 0 : index
    %get3A_12 = arith.constant 0 : index
    %get3A_13 = vector.load %arg3[%get3A_10, %get3A_11, %get3A_12] : memref<4x2000x128xf32, #tpu.memory_space<vmem>>, vector<1x2000x128xf32>
    %get3A_14 = vector.shape_cast %get3A_13 : vector<1x2000x128xf32> to vector<2000x128xf32>
    %get3A_15 = arith.constant 2 : index
    %get3A_16 = arith.constant 0 : index
    %get3A_17 = arith.constant 0 : index
    %get3A_18 = vector.load %arg3[%get3A_15, %get3A_16, %get3A_17] : memref<4x2000x128xf32, #tpu.memory_space<vmem>>, vector<1x2000x128xf32>
    %get3A_19 = vector.shape_cast %get3A_18 : vector<1x2000x128xf32> to vector<2000x128xf32>
    %get3A_20 = arith.constant 3 : index
    %get3A_21 = arith.constant 0 : index
    %get3A_22 = arith.constant 0 : index
    %get3A_23 = vector.load %arg3[%get3A_20, %get3A_21, %get3A_22] : memref<4x2000x128xf32, #tpu.memory_space<vmem>>, vector<1x2000x128xf32>
    %get3A_24 = vector.shape_cast %get3A_23 : vector<1x2000x128xf32> to vector<2000x128xf32>
    %concatenate3A_25 = tpu.concatenate %get3A_9, %get3A_14, %get3A_19, %get3A_24 in 1 : vector<2000x128xf32>, vector<2000x128xf32>, vector<2000x128xf32>, vector<2000x128xf32> -> vector<2000x512xf32>
    %convert_element_type3A_26 = arith.truncf %concatenate3A_25 : vector<2000x512xf32> to vector<2000x512xbf16>
    %get3A_27 = arith.constant 0 : index
    %get3A_28 = arith.constant 0 : index
    %get3A_29 = vector.load %arg4[%get3A_27, %get3A_28] : memref<512x512xbf16, #tpu.memory_space<vmem>>, vector<512x512xbf16>
    %dot_general3A = arith.constant dense<0.000000e+00> : vector<2000x512xf32>
    %dot_general3A_30 = tpu.matmul %convert_element_type3A, %get3A_29, %dot_general3A {dimension_numbers = #tpu.dot_dimension_numbers<[1], [0], [0], [1], [0, 0, 1, 1], [], []>, transpose_lhs_hint = false} : vector<2000x512xbf16>, vector<512x512xbf16>, vector<2000x512xf32> -> vector<2000x512xf32>
    %get3A_31 = arith.constant 0 : index
    %get3A_32 = arith.constant 0 : index
    %get3A_33 = vector.load %arg5[%get3A_31, %get3A_32] : memref<512x512xbf16, #tpu.memory_space<vmem>>, vector<512x512xbf16>
    %dot_general3A_34 = arith.constant dense<0.000000e+00> : vector<2000x512xf32>
    %dot_general3A_35 = tpu.matmul %convert_element_type3A_26, %get3A_33, %dot_general3A_34 {dimension_numbers = #tpu.dot_dimension_numbers<[1], [0], [0], [1], [0, 0, 1, 1], [], []>, transpose_lhs_hint = false} : vector<2000x512xbf16>, vector<512x512xbf16>, vector<2000x512xf32> -> vector<2000x512xf32>
    %add3A = arith.addf %dot_general3A_30, %dot_general3A_35 : vector<2000x512xf32>
    %get3A_36 = arith.constant 0 : index
    %get3A_37 = arith.constant 0 : index
    %get3A_38 = vector.load %arg6[%get3A_36, %get3A_37] : memref<1x512xf32, #tpu.memory_space<vmem>>, vector<1x512xf32>
    %add3A_39 = vector.broadcast %get3A_38 : vector<1x512xf32> to vector<2000x512xf32>
    %add3A_40 = arith.addf %add3A, %add3A_39 : vector<2000x512xf32>
    %logistic3A = arith.negf %add3A_40 : vector<2000x512xf32>
    %logistic3A_41 = math.exp %logistic3A : vector<2000x512xf32>
    %logistic3A_42 = arith.constant 1.000000e+00 : f32
    %logistic3A_43 = vector.broadcast %logistic3A_42 : f32 to vector<2000x512xf32>
    %logistic3A_44 = arith.addf %logistic3A_43, %logistic3A_41 : vector<2000x512xf32>
    %logistic3A_45 = arith.divf %logistic3A_43, %logistic3A_44 : vector<2000x512xf32>
    %mul3A = arith.mulf %add3A_40, %logistic3A_45 : vector<2000x512xf32>
    %convert_element_type3A_46 = arith.truncf %mul3A : vector<2000x512xf32> to vector<2000x512xbf16>
    %get3A_47 = arith.constant 0 : index
    %get3A_48 = arith.constant 0 : index
    %get3A_49 = vector.load %arg7[%get3A_47, %get3A_48] : memref<512x512xbf16, #tpu.memory_space<vmem>>, vector<512x512xbf16>
    %dot_general3A_50 = arith.constant dense<0.000000e+00> : vector<2000x512xf32>
    %dot_general3A_51 = tpu.matmul %convert_element_type3A_46, %get3A_49, %dot_general3A_50 {dimension_numbers = #tpu.dot_dimension_numbers<[1], [0], [0], [1], [0, 0, 1, 1], [], []>, transpose_lhs_hint = false} : vector<2000x512xbf16>, vector<512x512xbf16>, vector<2000x512xf32> -> vector<2000x512xf32>
    %get3A_52 = arith.constant 0 : index
    %get3A_53 = arith.constant 0 : index
    %get3A_54 = vector.load %arg8[%get3A_52, %get3A_53] : memref<1x512xf32, #tpu.memory_space<vmem>>, vector<1x512xf32>
    %add3A_55 = vector.broadcast %get3A_54 : vector<1x512xf32> to vector<2000x512xf32>
    %add3A_56 = arith.addf %dot_general3A_51, %add3A_55 : vector<2000x512xf32>
    %swap3A = arith.constant 0 : index
    %swap3A_57 = arith.constant 0 : index
    %swap3A_58 = vector.load %arg9[%swap3A, %swap3A_57] : memref<2000x512xf32, #tpu.memory_space<vmem>>, vector<2000x512xf32>
    tpu.vector_store %arg9[%swap3A, %swap3A_57], %add3A_56 {strides = array<i32>} : memref<2000x512xf32, #tpu.memory_space<vmem>>, vector<2000x512xf32>,
    return
  }
  func.func @transform_0(%arg0: i32) -> (i32, i32) {
    %c0_i32 = arith.constant 0 : i32
    %c0_i32_0 = arith.constant 0 : i32
    return %arg0, %c0_i32 : i32, i32
  }
  func.func @transform_1(%arg0: i32) -> (i32, i32) {
    %c0_i32 = arith.constant 0 : i32
    %c0_i32_0 = arith.constant 0 : i32
    return %arg0, %c0_i32 : i32, i32
  }
  func.func @transform_2(%arg0: i32) -> (i32, i32, i32) {
    %c0_i32 = arith.constant 0 : i32
    %c0_i32_0 = arith.constant 0 : i32
    %c0_i32_1 = arith.constant 0 : i32
    return %c0_i32, %arg0, %c0_i32_0 : i32, i32, i32
  }
  func.func @transform_3(%arg0: i32) -> (i32, i32) {
    %c0_i32 = arith.constant 0 : i32
    %c0_i32_0 = arith.constant 0 : i32
    %c0_i32_1 = arith.constant 0 : i32
    return %c0_i32, %c0_i32_0 : i32, i32
  }
  func.func @transform_4(%arg0: i32) -> (i32, i32) {
    %c0_i32 = arith.constant 0 : i32
    %c0_i32_0 = arith.constant 0 : i32
    %c0_i32_1 = arith.constant 0 : i32
    return %c0_i32, %c0_i32_0 : i32, i32
  }
  func.func @transform_5(%arg0: i32) -> (i32, i32) {
    %c0_i32 = arith.constant 0 : i32
    %c0_i32_0 = arith.constant 0 : i32
    %c0_i32_1 = arith.constant 0 : i32
    return %c0_i32, %c0_i32_0 : i32, i32
  }
  func.func @transform_6(%arg0: i32) -> (i32, i32) {
    %c0_i32 = arith.constant 0 : i32
    %c0_i32_0 = arith.constant 0 : i32
    %c0_i32_1 = arith.constant 0 : i32
    return %c0_i32, %c0_i32_0 : i32, i32
  }
  func.func @transform_7(%arg0: i32) -> (i32, i32) {
    %c0_i32 = arith.constant 0 : i32
    %c0_i32_0 = arith.constant 0 : i32
    %c0_i32_1 = arith.constant 0 : i32
    return %c0_i32, %c0_i32_0 : i32, i32
  }
  func.func @transform_8(%arg0: i32) -> (i32, i32) {
    %c0_i32 = arith.constant 0 : i32
    %c0_i32_0 = arith.constant 0 : i32
    return %arg0, %c0_i32 : i32, i32
  }
}

</mosaic_0001>

<sc_bundles>
// kernel: kernel.10.cloned.1.call-start
scs
__scs_entry_jumppad:
0x0: {  	(pc) =	sbr.rel $0x88, $3  }
0x1: {  	(tag) =	ssettag $0x0;
	lr =	simm.s32 $0x1  }
0x2: {  	[smem:$0x3F96] =	sst lr;
	_ =	strace $0xD0000000  }
0x3: {  	_ = 	snop  }
0x4: {  	_ = 	snop  }
0x5: {  	_ = 	snop  }
0x6: {  	_ = 	snop  }
0x7: {  	_ = 	snop  }
__scs_overlays_trampoline_lowered:
0x8: {  	[smem:$0x3FA5] =	sst s0  }
0x9: {  	[smem:$0x3FA6] =	sst s1  }
0xa: {  	[smem:$0x3FA7] =	sst s2  }
0xb: {  	[smem:$0x3FA8] =	sst s3  }
0xc: {  	[smem:$0x3FA9] =	sst s4  }
0xd: {  	[smem:$0x3FAA] =	sst s5  }
0xe: {  	[smem:$0x3FAB] =	sst s6  }
0xf: {  	[smem:$0x3FAC] =	sst s7  }
0x10: {  	[smem:$0x3FAD] =	sst s8  }
0x11: {  	[smem:$0x3FAE] =	sst s9;
	s0 =	simm.s32 @!p0 $0x0  }
0x12: {  	s1 =	sld [smem:$0x3F94];
	s0 =	simm.s32 @p0 $0x1  }
0x13: {  	[smem:$0x3FAF] =	sst s0;
	s0 =	simm.s32 @!p1 $0x0  }
0x14: {  	s2 =	sld [smem:$0x3F93];
	s0 =	simm.s32 @p1 $0x1  }
0x15: {  	[smem:$0x3FB0] =	sst s0;
	s0 =	simm.s32 @!p2 $0x0  }
0x16: {  	s3 =	sld [smem:$0x3FDB];
	s0 =	simm.s32 @p2 $0x1  }
0x17: {  	s4 =	simm.s32 $0x1BF5;
	[smem:$0x3FB2] =	sst s0  }
0x18: {  	s0 =	sld [smem:$0x3F95];
	_ =	swait.ge [sflag:s4], $0x0  }
0x19: {  	s7 =	sld [smem:$0x3F96]  }
0x1a: {  	s8 =	sadd.s32 $0xFFFFE003, lr  }
0x1b: {  	s9 =	sadd.s32 $0xFFFFFEF7, lr;
	s5 =	simm.s32 $0xFFFFFFFF;
	p2 =	slt.u32 s8, $0xFFFFF086  }
0x1c: {  	p1 =	slt.u32 s9, $0xF7A;
	s5 =	simm.s32 @!p2 $0x0  }
0x1d: {  	s5 =	simm.s32 @p1 $0x1;
	p0 =	seq.s32 s7, s2  }
0x1e: {  	s7 =	smul.u32 @!p0 $0xF7A, s2;
	p2 =	seq.s32 @!p0 s5, $0x0  }
0x1f: {  	s9 =	smul.u32 $0xF7A, s1;
	s8 =	simm.s32 @!p0 $0x1BF5;
	p2 =	por !p2, p0  }
0x20: {  	[sflag:s8] =	ssyncset.s32 @!p0 $0xFFFFF086;
	s6 =	sadd.s32 @!p0 s3, s7;
	s7 =	simm.s32 @!p0 $0x108  }
0x21: {  	s3 =	sadd.s32 s3, s9;
	s6 =	sadd.s32 @!p0 $0x88, s6;
	s7 =	simm.s32 @p2 $0x1082  }
0x22: {  	[simem:s7], [sflag:s8] =	dma.local @!p0 [hbm:s6], $0xF7A  }
0x23: {  	s9 =	sor.u32 $0xD0000000, s2;
	s6 =	simm.s32 $0x108;
	_ =	swait.ge @!p0 [sflag:s8], $0x0  }
0x24: {  	s3 =	sadd.s32 $0x88, s3;
	s6 =	simm.s32 @!p1 $0x1082;
	[sflag:s4] =	ssyncset.s32 $0xFFFFF086  }
0x25: {  	[simem:s6], [sflag:s4] =	dma.local [hbm:s3], $0xF7A  }
0x26: {  	[smem:$0x3F96] =	sst s1;
	(tag) =	ssettag s2;
	_ =	strace s9  }
0x27: {  	s1 =	sld [smem:$0x3FA6]  }
0x28: {  	s2 =	sld [smem:$0x3FA7]  }
0x29: {  	s4 =	sld [smem:$0x3FA9]  }
0x2a: {  	p0 =	seq.s32 s5, $0x0;
	s5 =	sld [smem:$0x3FAA]  }
0x2b: {  	s6 =	sld [smem:$0x3FAB]  }
0x2c: {  	s7 =	sld [smem:$0x3FAC]  }
0x2d: {  	s3 =	simm.s32 $0x108;
	s8 =	sld [smem:$0x3FAD]  }
0x2e: {  	s3 =	simm.s32 @!p0 $0x1082;
	s9 =	sld [smem:$0x3FAE]  }
0x2f: {  	lr =	sadd.s32 s0, s3;
	s0 =	sld [smem:$0x3FA5]  }
0x30: {  	s3 =	sld [smem:$0x3FA8]  }
0x31: {  	[smem:$0x3FB1] =	sst s10  }
0x32: {  	s10 =	sld [smem:$0x3FAF];
	_ =	sdelay $0x3  }
0x33: {  	p0 =	seq.s32 s10, $0x1;
	s10 =	sld [smem:$0x3FB1];
	_ =	sdelay $0x3  }
0x34: {  	[smem:$0x3FB1] =	sst s10  }
0x35: {  	s10 =	sld [smem:$0x3FB0];
	_ =	sdelay $0x3  }
0x36: {  	p1 =	seq.s32 s10, $0x1;
	s10 =	sld [smem:$0x3FB1];
	_ =	sdelay $0x3  }
0x37: {  	[smem:$0x3FB1] =	sst s10  }
0x38: {  	s10 =	sld [smem:$0x3FB2]  }
0x39: {  	_ = 	snop;
	(pc) =	sbr.ind lr, $3  }
0x3a: {  	_ = 	snop  }
0x3b: {  	_ = 	snop  }
0x3c: {  	p2 =	seq.s32 s10, $0x1;
	s10 =	sld [smem:$0x3FB1]  }
0x3d: {  	_ =	shalt  }
0x3e: {  	_ =	shalt  }
0x3f: {  	_ =	shalt  }
0x40: {  	_ =	shalt  }
0x41: {  	_ =	shalt  }
0x42: {  	_ =	shalt  }
0x43: {  	_ =	shalt  }
0x44: {  	_ =	shalt  }
0x45: {  	_ =	shalt  }
0x46: {  	_ =	shalt  }
0x47: {  	_ =	shalt  }
0x48: {  	_ =	shalt  }
0x49: {  	_ =	shalt  }
0x4a: {  	_ =	shalt  }
0x4b: {  	_ =	shalt  }
0x4c: {  	_ =	shalt  }
0x4d: {  	_ =	shalt  }
0x4e: {  	_ =	shalt  }
0x4f: {  	_ =	shalt  }
0x50: {  	_ =	shalt  }
0x51: {  	_ =	shalt  }
0x52: {  	_ =	shalt  }
0x53: {  	_ =	shalt  }
0x54: {  	_ =	shalt  }
0x55: {  	_ =	shalt  }
0x56: {  	_ =	shalt  }
0x57: {  	_ =	shalt  }
0x58: {  	_ =	shalt  }
0x59: {  	_ =	shalt  }
0x5a: {  	_ =	shalt  }
0x5b: {  	_ =	shalt  }
0x5c: {  	_ =	shalt  }
0x5d: {  	_ =	shalt  }
0x5e: {  	_ =	shalt  }
0x5f: {  	_ =	shalt  }
0x60: {  	_ =	shalt  }
0x61: {  	_ =	shalt  }
0x62: {  	_ =	shalt  }
0x63: {  	_ =	shalt  }
0x64: {  	_ =	shalt  }
0x65: {  	_ =	shalt  }
0x66: {  	_ =	shalt  }
0x67: {  	_ =	shalt  }
0x68: {  	_ =	shalt  }
0x69: {  	_ =	shalt  }
0x6a: {  	_ =	shalt  }
0x6b: {  	_ =	shalt  }
0x6c: {  	_ =	shalt  }
0x6d: {  	_ =	shalt  }
0x6e: {  	_ =	shalt  }
0x6f: {  	_ =	shalt  }
0x70: {  	_ =	shalt  }
0x71: {  	_ =	shalt  }
0x72: {  	_ =	shalt  }
0x73: {  	_ =	shalt  }
0x74: {  	_ =	shalt  }
0x75: {  	_ =	shalt  }
0x76: {  	_ =	shalt  }
0x77: {  	_ =	shalt  }
0x78: {  	_ =	shalt  }
0x79: {  	_ =	shalt  }
0x7a: {  	_ =	shalt  }
0x7b: {  	_ =	shalt  }
0x7c: {  	_ =	shalt  }
0x7d: {  	_ =	shalt  }
0x7e: {  	_ =	shalt  }
0x7f: {  	_ =	shalt  }
0x80: {  	_ =	shalt  }
0x81: {  	_ =	shalt  }
0x82: {  	_ =	shalt  }
0x83: {  	_ =	shalt  }
0x84: {  	_ =	shalt  }
0x85: {  	_ =	shalt  }
0x86: {  	_ =	shalt  }
0x87: {  	_ =	shalt  }
.Lfunc_end0:
.L_simem_size_0:
called_computation.1_lowered:
.L_overlay_start_0:
0x88: {  	s2 =	sld [smem:$0x3FD9]  }
0x89: {  	s3 =	sld [smem:$0x3FFE];
	_ =	sdelay $0x1  }
0x8a: {  	s1 =	srdreg.scid  }
0x8b: {  	s0 =	sand.u32 $0x1, s1  }
0x8c: {  	s14 =	sshll.u32 s0, $0xA;
	s2 =	sadd.s32 s3, s2  }
0x8d: {  	s2 =	sadd.s32 s2, s14  }
0x8e: {  	[smem:$0x3FBD] =	sst s2  }
0x8f: {  	_ = 	snop  }
0x90: {  	s2 =	sld [smem:$0x3FD0];
	_ =	sdelay $0x2  }
0x91: {  	s15 =	simm.s32 $0xA;
	s4 =	simm.s32 $0x10  }
0x92: {  	[smem:s4], [sflag:s15] =	dma.local [hbm:s2], $0x1  }
0x93: {  	_ =	swait.eq [sflag:s15], $0x1  }
0x94: {  	[sflag:s15] =	ssyncset.done $0x0  }
0x95: {  	[sflag:s15] =	ssyncadd.s32 $0xFFFFFFFF  }
0x96: {  	s16 =	sld [smem:$0x10];
	(tm) =	ssettm $0x1  }
0x97: {  	s17 =	sld [smem:$0x3FFB];
	_ =	sdelay $0x3  }
0x98: {  	_ =	strace s17  }
0x99: {  	s3 =	sld [smem:$0x3FFC];
	_ =	sdelay $0x3  }
0x9a: {  	_ =	strace s3  }
0x9b: {  	s3 =	sld [smem:$0x3FFD];
	_ =	sdelay $0x3  }
0x9c: {  	_ =	strace s3  }
0x9d: {  	_ =	strace $0x8FFFFFFF  }
0x9e: {  	s18 =	sld [smem:$0x3FDB];
	_ =	sdelay $0x1  }
0x9f: {  	s19 =	simm.s32 $_scs_section_size  }
0xa0: {  	s5 =	simm.s32 $_size__tile_overlayer_lowered;
	s6 =	simm.s32 $_tile_overlayer_lowered  }
0xa1: {  	s22 =	simm.s32 $0x1BFF;
	s21 =	sshll.u32 s6, $0x1;
	s3 =	sadd.s32 s19, s18  }
0xa2: {  	s7 =	simm.s32 $0x0;
	s20 =	sshll.u32 s5, $0x1;
	s5 =	sadd.s32 s21, s3  }
0xa3: {  	[timem:s7], [sflag:s22] =	dma.local [hbm:s5], s20  }
0xa4: {  	_ =	swait.ge [sflag:s22], s20  }
0xa5: {  	s4 =	ssub.s32 $0x0, s20;
	[sflag:s22] =	ssyncset.done $0x0  }
0xa6: {  	[sflag:s22] =	ssyncadd.s32 s4;
	_ =	sdelay $0x1  }
0xa7: {  	s23 =	simm.s32 $0x1B8B  }
0xa8: {  	_ =	swait.ge [sflag:s23], $0x1  }
0xa9: {  	[sflag:s23] =	ssyncset.done $0x0  }
0xaa: {  	s25 =	simm.s32 $0x1B8E;
	s24 =	sld [smem:$0x3FFE];
	[sflag:s23] =	ssyncadd.s32 $0xFFFFFFFF  }
0xab: {  	s26 =	simm.s32 $execute0_lowered;
	[smem:$0x3FD2] =	sst s25  }
0xac: {  	s5 =	sshll.u32 s26, $0x1;
	_ =	strace $0x80000049;
	[dreg:$0x1] =	wrdreg $0xFFFFFFFF  }
0xad: {  	s28 =	simm.s32 $_size_execute0_lowered;
	s3 =	sadd.s32 s3, s5;
	[dreg:$0x0] =	wrdreg $0x0  }
0xae: {  	s5 =	sshll.u32 s28, $0x1;
	[dreg:$0x2] =	wrdreg s3  }
0xaf: {  	[dreg:$0x3] =	wrdreg s5  }
0xb0: {  	[dreg:$0x4] =	wrdreg $0xC0  }
0xb1: {  	_ =	task [dreg:s7], $0x5FFFF  }
0xb2: {  	[dreg:$0x1] =	wrdreg $0xFFFFFFFF  }
0xb3: {  	[dreg:$0x0] =	wrdreg $0x60  }
0xb4: {  	[dreg:$0x2] =	wrdreg s24  }
0xb5: {  	[dreg:$0x3] =	wrdreg s16  }
0xb6: {  	[dreg:$0x4] =	wrdreg $0x40800  }
0xb7: {  	[dreg:$0x5] =	wrdreg $0x9  }
0xb8: {  	_ =	task.clear_ibuf [dreg:s7], $0x6FFFF;
	_ =	strace $0x90000049  }
0xb9: {  	s29 =	simm.s32 $0x9;
	_ =	strace $0x8000004B  }
0xba: {  	_ =	swait.ge [sflag:s29], $0x1  }
0xbb: {  	[sflag:s29] =	ssyncadd.s32 $0xFFFFFFFF  }
0xbc: {  	_ =	strace $0x9000004B  }
0xbd: {  	_ =	sfence  }
0xbe: {  	s30 =	sld [smem:$0x0];
	_ =	sdelay $0x2  }
0xbf: {  	s31 =	sshll.u32 s1, $0xD;
	s1 =	sshrl.u32 s1, $0x2  }
0xc0: {  	s3 =	sand.u32 $0x4000, s31;
	s1 =	sadd.s32 s1, s30  }
0xc1: {  	s0 =	sor.u32 s3, s0;
	s1 =	sshll.u32 s1, $0x11  }
0xc2: {  	s0 =	sor.u32 s1, s0  }
0xc3: {  	s0 =	sadd.s32 $0x8F2B, s0  }
0xc4: {  	[sflag:s0] =	ssyncadd.remote.s32 $0x1  }
0xc5: {  	_ =	sfence.sel $0xFFFF  }
0xc6: {  	[dreg:$0x0] =	wrdreg $0xFFFFFFFF;
	(pc) =	sbr.abs _section_cstart, $3  }
0xc7: {  	[dreg:$0x1] =	wrdreg $0xFFFFFFFF  }
0xc8: {  	_ =	task.clear_ibuf [dreg:s7], $0x2FFFF;
	_ =	strace $0x9FFFFFFF  }
0xc9: {  	(tm) =	ssettm $0x7FFFFFFF  }
tec
execute0_lowered:
.L_overlay_start_1:
0x0: {  	(tag) =	ssettag $0x1  }
0x1: {  	s5 =	rddreg [dreg:$0x0]  }
0x2: {  	s1 =	rddreg [dreg:$0x1]  }
0x3: {  	s2 =	rddreg [dreg:$0x2]  }
0x4: {  	s0 =	rddreg [dreg:$0x3];
	s3 =	simm.s32 $0x0;
	s6 =	srdreg.scid  }
0x5: {  	s4 =	stileid.u32;
	[smem:$0x7FF] =	sst s3  }
0x6: {  	s14 =	sadd.s32 $0xCDDC00, s5;
	s7 =	sand.u32 $0x1, s6;
	s22 =	sshll.u32 s4, $0x4  }
0x7: {  	s9 =	smul.u32 $0x4E000, s4;
	s10 =	sadd.s32 $0x1600, s5;
	s26 =	sshll.u32 s4, $0x6  }
0x8: {  	s28 =	smul.u32 $0x13800, s4;
	s17 =	sadd.s32 $0x138000, s2;
	s30 =	sshll.u32 s4, $0xE  }
0x9: {  	p0 =	sne.s32 s4, $0x0;
	_ =	strace $0x8000004A;
	s8 =	ssub.s32 $0x2, s7  }
0xa: {  	s12 =	sadd.s32 s22, s5;
	s25 =	smul.u32 $0x271000, s7;
	s6 =	sor.u32 $0x1C01, s26  }
0xb: {  	s13 =	sshllo.u32 s7, $0x1;
	s16 =	smul.u32 $0x2710000, s7;
	s17 =	sshrl.u32 @!p0 s17, $0x3  }
0xc: {  	s23 =	sshrl.u32 s8, $0x1;
	s24 =	sshrl.u32 s9, $0x2;
	s13 =	smul.u32 $0x138800, s13  }
0xd: {  	s12 =	sadd.s32 $0x9EC00, s12;
	s11 =	ssub.s32 s8, s23;
	s5 =	sadd.s32 s24, s2  }
0xe: {  	s15 =	sadd.s32 s28, s25;
	s8 =	sshrl.u32 s25, $0x3;
	s31 =	sadd.s32 s30, s16  }
0xf: {  	s16 =	simm.s32 $0x1;
	s29 =	sshrl.u32 s15, $0x3;
	s8 =	sadd.s32 s10, s8  }
0x10: {  	s9 =	sadd.s32 s28, s13;
	s13 =	sshrl.u32 s13, $0x3;
	s11 =	smax.u32 s11, $0x1  }
0x11: {  	s15 =	sadd.s32 $0x1388000, s31;
	s7 =	sadd.s32 s10, s29;
	s9 =	sshrl.u32 s9, $0x3  }
0x12: {  	s8 =	sadd.s32 $0x27000, s8;
	s9 =	sadd.s32 s10, s9;
	s10 =	sadd.s32 s10, s13  }
0x13: {  	s15 =	sshrl.u32 s15, $0x3;
	s13 =	sshrl.u32 s31, $0x3;
	s10 =	sadd.s32 $0x27000, s10  }
0x14: {  	s13 =	sadd.s32 s13, s14;
	s14 =	sadd.s32 s15, s14;
	s15 =	sshrl.u32 s5, $0x3  }
.LBB2_1:
0x15: {  	[spmem:s15], [sflag:s6] =	dma.local [hbm:s1], $0x2700  }
0x16: {  	_ =	swait.ge [sflag:s16], $0x2700  }
0x17: {  	[sflag:s16] =	ssyncset.done $0x0  }
0x18: {  	s18 =	simm.s32 @!p0 $0x1;
	[sflag:s16] =	ssyncadd.s32 $0xFFFFD900  }
0x19: {  	[spmem:s17], [sflag:s6] =	dma.local @!p0 [hbm:s1], $0x100  }
0x1a: {  	_ =	swait.ge @!p0 [sflag:s18], $0x100  }
0x1b: {  	s19 =	sadd.s32 $0x0, s4;
	[sflag:s18] =	ssyncset.done @!p0 $0x0  }
0x1c: {  	p1 =	sgt.u32 s19, $0x4E1;
	[sflag:s18] =	ssyncadd.s32 @!p0 $0xFFFFFF00  }
0x1d: {  	s20 =	simm.s32 @!p1 $0x2;
	s18 =	simm.s32 @!p1 $0x0;
	[bflag:$0x0] =	sbarrier.arrive $0xFFFF  }
0x1e: {  	[tilespmem:s18], [sflag:$0x2] =	stream.linear.gather @!p1 [hbm4b:s12+s18], $0x80, $0x38;
	[tilespmem:$0x17900] =	vst v63  }
0x1f: {  	_ =	swait.ge @!p1 [sflag:s20], $0x80  }
0x20: {  	[sflag:s20] =	ssyncset.done @!p1 $0x0;
	p1 =	por p1, p1  }
0x21: {  	[sflag:s20] =	ssyncadd.s32 @!p1 $0xFFFFFF80;
	s22 =	simm.s32 @!p1 $0x80  }
0x22: {  	[tilespmem:s22], [sflag:$0x2] =	stream.linear.gather @!p1 [hbm4b:s13+s18], $0x4000, $0x38;
	[tilespmem:$0x17900] =	vst v63  }
0x23: {  	_ =	swait.ge @!p1 [sflag:s20], $0x4000  }
0x24: {  	[sflag:s20] =	ssyncset.done @!p1 $0x0  }
0x25: {  	s31 =	sadd.s32 $0x10, s4;
	s21 =	simm.s32 @!p1 $0x1;
	[sflag:s20] =	ssyncadd.s32 @!p1 $0xFFFFC000  }
0x26: {  	[spmem:s2] =	stream.indirect.scatter.add.f32 @!p1 [tilespmem:s22], [sflag:$0x1], $0x80, s18, s22, $0xb8;
	[tilespmem:$0x17900] =	vst v63  }
0x27: {  	s19 =	simm.s32 $0x20;
	p2 =	sgt.u32 s31, $0x4E1;
	_ =	swait.ge @!p1 [sflag:s21], $0x4000  }
0x28: {  	s20 =	sadd.s32 $0x100, s12;
	s18 =	sadd.s32 $0x8000, s13;
	[sflag:s21] =	ssyncset.done @!p1 $0x0  }
.LBB2_2:
0x29: {  	s22 =	simm.s32 @!p2 $0x0;
	s23 =	simm.s32 @!p2 $0x2;
	[sflag:s21] =	ssyncadd.s32 @!p1 $0xFFFFC000  }
0x2a: {  	[tilespmem:s22], [sflag:$0x2] =	stream.linear.gather @!p2 [hbm4b:s20+s22], $0x80, $0x38;
	[tilespmem:$0x17900] =	vst v63  }
0x2b: {  	s24 =	smov.u32 s19;
	s19 =	sadd.s32 $0x10, s19;
	_ =	swait.ge @!p2 [sflag:s23], $0x80  }
0x2c: {  	p1 =	por p2, p2;
	p3 =	sne.s32 s19, $0x4F0;
	[sflag:s23] =	ssyncset.done @!p2 $0x0  }
0x2d: {  	s25 =	simm.s32 @!p1 $0x80;
	[sflag:s23] =	ssyncadd.s32 @!p1 $0xFFFFFF80  }
0x2e: {  	[tilespmem:s25], [sflag:$0x2] =	stream.linear.gather @!p1 [hbm4b:s18+s22], $0x4000, $0x38;
	[tilespmem:$0x17900] =	vst v63  }
0x2f: {  	_ =	swait.ge @!p1 [sflag:s23], $0x4000  }
.Ltmp0:
0x30: {  	[sflag:s23] =	ssyncset.done @!p1 $0x0;
	(pc) =	sbr.rel @p3 .LBB2_2-.Ltmp0, $4  }
0x31: {  	s21 =	simm.s32 @!p1 $0x1;
	[sflag:s23] =	ssyncadd.s32 @!p1 $0xFFFFC000  }
0x32: {  	[spmem:s2] =	stream.indirect.scatter.add.f32 @!p1 [tilespmem:s25], [sflag:$0x1], $0x80, s22, s25, $0xb8;
	[tilespmem:$0x17900] =	vst v63  }
0x33: {  	s18 =	sadd.s32 $0x8000, s18;
	s22 =	sadd.s32 s24, s4;
	_ =	swait.ge @!p1 [sflag:s21], $0x4000  }
0x34: {  	s20 =	sadd.s32 $0x100, s20;
	p2 =	sgt.u32 s22, $0x4E1;
	[sflag:s21] =	ssyncset.done @!p1 $0x0  }
0x35: {  	s19 =	simm.s32 @!p2 $0x0;
	s22 =	simm.s32 @!p2 $0x2;
	[sflag:s21] =	ssyncadd.s32 @!p1 $0xFFFFC000  }
0x36: {  	[tilespmem:s19], [sflag:$0x2] =	stream.linear.gather @!p2 [hbm4b:s20+s19], $0x80, $0x38;
	[tilespmem:$0x17900] =	vst v63  }
0x37: {  	_ =	swait.ge @!p2 [sflag:s22], $0x80  }
0x38: {  	p1 =	por p2, p2;
	[sflag:s22] =	ssyncset.done @!p2 $0x0  }
0x39: {  	s20 =	simm.s32 @!p1 $0x80;
	[sflag:s22] =	ssyncadd.s32 @!p1 $0xFFFFFF80  }
0x3a: {  	[tilespmem:s20], [sflag:$0x2] =	stream.linear.gather @!p1 [hbm4b:s18+s19], $0x4000, $0x38;
	[tilespmem:$0x17900] =	vst v63  }
0x3b: {  	_ =	swait.ge @!p1 [sflag:s22], $0x4000  }
0x3c: {  	[sflag:s22] =	ssyncset.done @!p1 $0x0  }
0x3d: {  	s18 =	simm.s32 @!p1 $0x1;
	[sflag:s22] =	ssyncadd.s32 @!p1 $0xFFFFC000  }
0x3e: {  	[spmem:s2] =	stream.indirect.scatter.add.f32 @!p1 [tilespmem:s20], [sflag:$0x1], $0x80, s19, s20, $0xb8;
	[tilespmem:$0x17900] =	vst v63  }
0x3f: {  	_ =	swait.ge @!p1 [sflag:s18], $0x4000  }
0x40: {  	[sflag:s18] =	ssyncset.done @!p1 $0x0  }
0x41: {  	[sflag:s18] =	ssyncadd.s32 @!p1 $0xFFFFC000  }
0x42: {  	[bflag:$0x0] =	sbarrier.arrive $0xFFFF  }
0x43: {  	[hbm:s7], [sflag:s6] =	dma.local [spmem:s15], $0x2700  }
0x44: {  	_ =	swait.ge [sflag:s16], $0x2700  }
0x45: {  	[sflag:s16] =	ssyncset.done $0x0  }
0x46: {  	s18 =	sshrl.u32 @p0 s5, $0x3;
	[sflag:s16] =	ssyncadd.s32 $0xFFFFD900  }
0x47: {  	[spmem:s18], [sflag:s6] =	dma.local @p0 [hbm:s1], $0x2700  }
0x48: {  	s18 =	simm.s32 @p0 $0x1  }
0x49: {  	_ =	swait.ge @p0 [sflag:s18], $0x2700  }
0x4a: {  	[sflag:s18] =	ssyncset.done @p0 $0x0  }
0x4b: {  	[sflag:s18] =	ssyncadd.s32 @p0 $0xFFFFD900;
	s18 =	simm.s32 @!p0 $0x1  }
0x4c: {  	[hbm:s8], [sflag:s6] =	dma.local @!p0 [spmem:s17], $0x100  }
0x4d: {  	_ =	swait.ge @!p0 [sflag:s18], $0x100  }
0x4e: {  	[sflag:s18] =	ssyncset.done @!p0 $0x0  }
0x4f: {  	s19 =	sshrl.u32 @!p0 s5, $0x3;
	[sflag:s18] =	ssyncadd.s32 @!p0 $0xFFFFFF00  }
0x50: {  	[spmem:s19], [sflag:s6] =	dma.local @!p0 [hbm:s1], $0x2700  }
0x51: {  	_ =	swait.ge @!p0 [sflag:s18], $0x2700  }
0x52: {  	[sflag:s18] =	ssyncset.done @!p0 $0x0  }
0x53: {  	[sflag:s18] =	ssyncadd.s32 @!p0 $0xFFFFD900  }
0x54: {  	[spmem:s17], [sflag:s6] =	dma.local @!p0 [hbm:s1], $0x100  }
0x55: {  	_ =	swait.ge @!p0 [sflag:s18], $0x100  }
0x56: {  	s30 =	sadd.s32 $0x0, s4;
	[sflag:s18] =	ssyncset.done @!p0 $0x0  }
0x57: {  	p1 =	sgt.u32 s30, $0x4E1;
	[sflag:s18] =	ssyncadd.s32 @!p0 $0xFFFFFF00  }
0x58: {  	s20 =	simm.s32 @!p1 $0x2;
	s18 =	simm.s32 @!p1 $0x0;
	[bflag:$0x0] =	sbarrier.arrive $0xFFFF  }
0x59: {  	[tilespmem:s18], [sflag:$0x2] =	stream.linear.gather @!p1 [hbm4b:s12+s18], $0x80, $0x38;
	[tilespmem:$0x17900] =	vst v63  }
0x5a: {  	_ =	swait.ge @!p1 [sflag:s20], $0x80  }
0x5b: {  	[sflag:s20] =	ssyncset.done @!p1 $0x0;
	p1 =	por p1, p1  }
0x5c: {  	[sflag:s20] =	ssyncadd.s32 @!p1 $0xFFFFFF80;
	s22 =	simm.s32 @!p1 $0x80  }
0x5d: {  	[tilespmem:s22], [sflag:$0x2] =	stream.linear.gather @!p1 [hbm4b:s14+s18], $0x4000, $0x38;
	[tilespmem:$0x17900] =	vst v63  }
0x5e: {  	_ =	swait.ge @!p1 [sflag:s20], $0x4000  }
0x5f: {  	[sflag:s20] =	ssyncset.done @!p1 $0x0  }
0x60: {  	s31 =	sadd.s32 $0x10, s4;
	s21 =	simm.s32 @!p1 $0x1;
	[sflag:s20] =	ssyncadd.s32 @!p1 $0xFFFFC000  }
0x61: {  	[spmem:s2] =	stream.indirect.scatter.add.f32 @!p1 [tilespmem:s22], [sflag:$0x1], $0x80, s18, s22, $0xb8;
	[tilespmem:$0x17900] =	vst v63  }
0x62: {  	p2 =	sgt.u32 s31, $0x4E1;
	s19 =	simm.s32 $0x20;
	_ =	swait.ge @!p1 [sflag:s21], $0x4000  }
0x63: {  	s20 =	sadd.s32 $0x100, s12;
	s18 =	sadd.s32 $0x8000, s14;
	[sflag:s21] =	ssyncset.done @!p1 $0x0  }
.LBB2_4:
0x64: {  	s22 =	simm.s32 @!p2 $0x0;
	s23 =	simm.s32 @!p2 $0x2;
	[sflag:s21] =	ssyncadd.s32 @!p1 $0xFFFFC000  }
0x65: {  	[tilespmem:s22], [sflag:$0x2] =	stream.linear.gather @!p2 [hbm4b:s20+s22], $0x80, $0x38;
	[tilespmem:$0x17900] =	vst v63  }
0x66: {  	s24 =	smov.u32 s19;
	s19 =	sadd.s32 $0x10, s19;
	_ =	swait.ge @!p2 [sflag:s23], $0x80  }
0x67: {  	p1 =	por p2, p2;
	p3 =	sne.s32 s19, $0x4F0;
	[sflag:s23] =	ssyncset.done @!p2 $0x0  }
0x68: {  	s25 =	simm.s32 @!p1 $0x80;
	[sflag:s23] =	ssyncadd.s32 @!p1 $0xFFFFFF80  }
0x69: {  	[tilespmem:s25], [sflag:$0x2] =	stream.linear.gather @!p1 [hbm4b:s18+s22], $0x4000, $0x38;
	[tilespmem:$0x17900] =	vst v63  }
0x6a: {  	_ =	swait.ge @!p1 [sflag:s23], $0x4000  }
.Ltmp1:
0x6b: {  	[sflag:s23] =	ssyncset.done @!p1 $0x0;
	(pc) =	sbr.rel @p3 .LBB2_4-.Ltmp1, $4  }
0x6c: {  	s21 =	simm.s32 @!p1 $0x1;
	[sflag:s23] =	ssyncadd.s32 @!p1 $0xFFFFC000  }
0x6d: {  	[spmem:s2] =	stream.indirect.scatter.add.f32 @!p1 [tilespmem:s25], [sflag:$0x1], $0x80, s22, s25, $0xb8;
	[tilespmem:$0x17900] =	vst v63  }
0x6e: {  	s18 =	sadd.s32 $0x8000, s18;
	s22 =	sadd.s32 s24, s4;
	_ =	swait.ge @!p1 [sflag:s21], $0x4000  }
0x6f: {  	s20 =	sadd.s32 $0x100, s20;
	p2 =	sgt.u32 s22, $0x4E1;
	[sflag:s21] =	ssyncset.done @!p1 $0x0  }
0x70: {  	s19 =	simm.s32 @!p2 $0x0;
	s22 =	simm.s32 @!p2 $0x2;
	[sflag:s21] =	ssyncadd.s32 @!p1 $0xFFFFC000  }
0x71: {  	[tilespmem:s19], [sflag:$0x2] =	stream.linear.gather @!p2 [hbm4b:s20+s19], $0x80, $0x38;
	[tilespmem:$0x17900] =	vst v63  }
0x72: {  	_ =	swait.ge @!p2 [sflag:s22], $0x80  }
0x73: {  	p1 =	por p2, p2;
	[sflag:s22] =	ssyncset.done @!p2 $0x0  }
0x74: {  	s20 =	simm.s32 @!p1 $0x80;
	[sflag:s22] =	ssyncadd.s32 @!p1 $0xFFFFFF80  }
0x75: {  	[tilespmem:s20], [sflag:$0x2] =	stream.linear.gather @!p1 [hbm4b:s18+s19], $0x4000, $0x38;
	[tilespmem:$0x17900] =	vst v63  }
0x76: {  	_ =	swait.ge @!p1 [sflag:s22], $0x4000  }
0x77: {  	[sflag:s22] =	ssyncset.done @!p1 $0x0  }
0x78: {  	s18 =	simm.s32 @!p1 $0x1;
	[sflag:s22] =	ssyncadd.s32 @!p1 $0xFFFFC000  }
0x79: {  	[spmem:s2] =	stream.indirect.scatter.add.f32 @!p1 [tilespmem:s20], [sflag:$0x1], $0x80, s19, s20, $0xb8;
	[tilespmem:$0x17900] =	vst v63  }
0x7a: {  	_ =	swait.ge @!p1 [sflag:s18], $0x4000  }
0x7b: {  	[sflag:s18] =	ssyncset.done @!p1 $0x0  }
0x7c: {  	[sflag:s18] =	ssyncadd.s32 @!p1 $0xFFFFC000  }
0x7d: {  	[bflag:$0x0] =	sbarrier.arrive $0xFFFF  }
0x7e: {  	[hbm:s9], [sflag:s6] =	dma.local [spmem:s15], $0x2700  }
0x7f: {  	s3 =	sadd.s32 $0x1, s3;
	_ =	swait.ge [sflag:s16], $0x2700  }
0x80: {  	p1 =	sne.s32 s3, s11;
	[sflag:s16] =	ssyncset.done $0x0  }
.Ltmp2:
0x81: {  	s18 =	simm.s32 @!p0 $0x1;
	[sflag:s16] =	ssyncadd.s32 $0xFFFFD900;
	(pc) =	sbr.rel @p1 .LBB2_1-.Ltmp2, $4  }
0x82: {  	[hbm:s10], [sflag:s6] =	dma.local @!p0 [spmem:s17], $0x100  }
0x83: {  	_ =	swait.ge @!p0 [sflag:s18], $0x100  }
0x84: {  	[sflag:s18] =	ssyncset.done @!p0 $0x0  }
0x85: {  	[sflag:s18] =	ssyncadd.s32 @!p0 $0xFFFFFF00  }
0x86: {  	_ =	sfence.sel $0x180000  }
0x87: {  	[bflag:$0x0] =	sbarrier.arrive $0xFFFF  }
0x88: {  	_ =	strace $0x9000004A  }
0x89: {  	s0 =	sadd.s32 @!p0 $0x100000, s0;
	[bflag:$0x2] =	sbarrier.arrive $0xFFFF  }
0x8a: {  	[sflag:s0] =	ssyncadd.tile.s32 @!p0 $0x1;
	_ =	shalt  }
.Lfunc_end2:
_tile_overlayer_lowered:
.L_overlay_start_2:
0x8b: {  	(tag) =	ssettag $0x2  }
0x8c: {  	s0 =	rddreg [dreg:$0x0];
	s2 =	stileid.u32  }
0x8d: {  	s1 =	rddreg [dreg:$0x1];
	p0 =	sne.s32 s2, $0x0  }
0x8e: {  	s3 =	rddreg [dreg:$0x2];
	[bflag:$0x3] =	sbarrier.arrive $0xFFFF;
	s2 =	simm.s32 @!p0 $0x1C01  }
0x8f: {  	[timem:s3], [sflag:s2] =	dma.local @!p0 [hbm:s0], s1  }
0x90: {  	s0 =	simm.s32 @!p0 $0x1  }
0x91: {  	_ =	swait.ge @!p0 [sflag:s0], s1  }
0x92: {  	s1 =	ssub.s32 @!p0 $0x0, s1;
	[sflag:s0] =	ssyncset.done @!p0 $0x0  }
0x93: {  	[sflag:s0] =	ssyncadd.s32 @!p0 s1  }
0x94: {  	[bflag:$0x3] =	sbarrier.arrive $0xFFFF  }
0x95: {  	_ =	shalt  }

// kernel: kernel.7.cloned.1.call-start
scs
__scs_entry_jumppad:
0x0: {  	(pc) =	sbr.rel $0x88, $3  }
0x1: {  	(tag) =	ssettag $0x0;
	lr =	simm.s32 $0x1  }
0x2: {  	[smem:$0x3F96] =	sst lr;
	_ =	strace $0xD0000000  }
0x3: {  	_ = 	snop  }
0x4: {  	_ = 	snop  }
0x5: {  	_ = 	snop  }
0x6: {  	_ = 	snop  }
0x7: {  	_ = 	snop  }
__scs_overlays_trampoline_lowered:
0x8: {  	[smem:$0x3FA5] =	sst s0  }
0x9: {  	[smem:$0x3FA6] =	sst s1  }
0xa: {  	[smem:$0x3FA7] =	sst s2  }
0xb: {  	[smem:$0x3FA8] =	sst s3  }
0xc: {  	[smem:$0x3FA9] =	sst s4  }
0xd: {  	[smem:$0x3FAA] =	sst s5  }
0xe: {  	[smem:$0x3FAB] =	sst s6  }
0xf: {  	[smem:$0x3FAC] =	sst s7  }
0x10: {  	[smem:$0x3FAD] =	sst s8  }
0x11: {  	[smem:$0x3FAE] =	sst s9;
	s0 =	simm.s32 @!p0 $0x0  }
0x12: {  	s1 =	sld [smem:$0x3F94];
	s0 =	simm.s32 @p0 $0x1  }
0x13: {  	[smem:$0x3FAF] =	sst s0;
	s0 =	simm.s32 @!p1 $0x0  }
0x14: {  	s2 =	sld [smem:$0x3F93];
	s0 =	simm.s32 @p1 $0x1  }
0x15: {  	[smem:$0x3FB0] =	sst s0;
	s0 =	simm.s32 @!p2 $0x0  }
0x16: {  	s3 =	sld [smem:$0x3FDB];
	s0 =	simm.s32 @p2 $0x1  }
0x17: {  	s4 =	simm.s32 $0x1BF5;
	[smem:$0x3FB2] =	sst s0  }
0x18: {  	s0 =	sld [smem:$0x3F95];
	_ =	swait.ge [sflag:s4], $0x0  }
0x19: {  	s7 =	sld [smem:$0x3F96]  }
0x1a: {  	s8 =	sadd.s32 $0xFFFFE003, lr  }
0x1b: {  	s9 =	sadd.s32 $0xFFFFFEF7, lr;
	s5 =	simm.s32 $0xFFFFFFFF;
	p2 =	slt.u32 s8, $0xFFFFF086  }
0x1c: {  	p1 =	slt.u32 s9, $0xF7A;
	s5 =	simm.s32 @!p2 $0x0  }
0x1d: {  	s5 =	simm.s32 @p1 $0x1;
	p0 =	seq.s32 s7, s2  }
0x1e: {  	s7 =	smul.u32 @!p0 $0xF7A, s2;
	p2 =	seq.s32 @!p0 s5, $0x0  }
0x1f: {  	s9 =	smul.u32 $0xF7A, s1;
	s8 =	simm.s32 @!p0 $0x1BF5;
	p2 =	por !p2, p0  }
0x20: {  	[sflag:s8] =	ssyncset.s32 @!p0 $0xFFFFF086;
	s6 =	sadd.s32 @!p0 s3, s7;
	s7 =	simm.s32 @!p0 $0x108  }
0x21: {  	s3 =	sadd.s32 s3, s9;
	s6 =	sadd.s32 @!p0 $0x88, s6;
	s7 =	simm.s32 @p2 $0x1082  }
0x22: {  	[simem:s7], [sflag:s8] =	dma.local @!p0 [hbm:s6], $0xF7A  }
0x23: {  	s9 =	sor.u32 $0xD0000000, s2;
	s6 =	simm.s32 $0x108;
	_ =	swait.ge @!p0 [sflag:s8], $0x0  }
0x24: {  	s3 =	sadd.s32 $0x88, s3;
	s6 =	simm.s32 @!p1 $0x1082;
	[sflag:s4] =	ssyncset.s32 $0xFFFFF086  }
0x25: {  	[simem:s6], [sflag:s4] =	dma.local [hbm:s3], $0xF7A  }
0x26: {  	[smem:$0x3F96] =	sst s1;
	(tag) =	ssettag s2;
	_ =	strace s9  }
0x27: {  	s1 =	sld [smem:$0x3FA6]  }
0x28: {  	s2 =	sld [smem:$0x3FA7]  }
0x29: {  	s4 =	sld [smem:$0x3FA9]  }
0x2a: {  	p0 =	seq.s32 s5, $0x0;
	s5 =	sld [smem:$0x3FAA]  }
0x2b: {  	s6 =	sld [smem:$0x3FAB]  }
0x2c: {  	s7 =	sld [smem:$0x3FAC]  }
0x2d: {  	s3 =	simm.s32 $0x108;
	s8 =	sld [smem:$0x3FAD]  }
0x2e: {  	s3 =	simm.s32 @!p0 $0x1082;
	s9 =	sld [smem:$0x3FAE]  }
0x2f: {  	lr =	sadd.s32 s0, s3;
	s0 =	sld [smem:$0x3FA5]  }
0x30: {  	s3 =	sld [smem:$0x3FA8]  }
0x31: {  	[smem:$0x3FB1] =	sst s10  }
0x32: {  	s10 =	sld [smem:$0x3FAF];
	_ =	sdelay $0x3  }
0x33: {  	p0 =	seq.s32 s10, $0x1;
	s10 =	sld [smem:$0x3FB1];
	_ =	sdelay $0x3  }
0x34: {  	[smem:$0x3FB1] =	sst s10  }
0x35: {  	s10 =	sld [smem:$0x3FB0];
	_ =	sdelay $0x3  }
0x36: {  	p1 =	seq.s32 s10, $0x1;
	s10 =	sld [smem:$0x3FB1];
	_ =	sdelay $0x3  }
0x37: {  	[smem:$0x3FB1] =	sst s10  }
0x38: {  	s10 =	sld [smem:$0x3FB2]  }
0x39: {  	_ = 	snop;
	(pc) =	sbr.ind lr, $3  }
0x3a: {  	_ = 	snop  }
0x3b: {  	_ = 	snop  }
0x3c: {  	p2 =	seq.s32 s10, $0x1;
	s10 =	sld [smem:$0x3FB1]  }
0x3d: {  	_ =	shalt  }
0x3e: {  	_ =	shalt  }
0x3f: {  	_ =	shalt  }
0x40: {  	_ =	shalt  }
0x41: {  	_ =	shalt  }
0x42: {  	_ =	shalt  }
0x43: {  	_ =	shalt  }
0x44: {  	_ =	shalt  }
0x45: {  	_ =	shalt  }
0x46: {  	_ =	shalt  }
0x47: {  	_ =	shalt  }
0x48: {  	_ =	shalt  }
0x49: {  	_ =	shalt  }
0x4a: {  	_ =	shalt  }
0x4b: {  	_ =	shalt  }
0x4c: {  	_ =	shalt  }
0x4d: {  	_ =	shalt  }
0x4e: {  	_ =	shalt  }
0x4f: {  	_ =	shalt  }
0x50: {  	_ =	shalt  }
0x51: {  	_ =	shalt  }
0x52: {  	_ =	shalt  }
0x53: {  	_ =	shalt  }
0x54: {  	_ =	shalt  }
0x55: {  	_ =	shalt  }
0x56: {  	_ =	shalt  }
0x57: {  	_ =	shalt  }
0x58: {  	_ =	shalt  }
0x59: {  	_ =	shalt  }
0x5a: {  	_ =	shalt  }
0x5b: {  	_ =	shalt  }
0x5c: {  	_ =	shalt  }
0x5d: {  	_ =	shalt  }
0x5e: {  	_ =	shalt  }
0x5f: {  	_ =	shalt  }
0x60: {  	_ =	shalt  }
0x61: {  	_ =	shalt  }
0x62: {  	_ =	shalt  }
0x63: {  	_ =	shalt  }
0x64: {  	_ =	shalt  }
0x65: {  	_ =	shalt  }
0x66: {  	_ =	shalt  }
0x67: {  	_ =	shalt  }
0x68: {  	_ =	shalt  }
0x69: {  	_ =	shalt  }
0x6a: {  	_ =	shalt  }
0x6b: {  	_ =	shalt  }
0x6c: {  	_ =	shalt  }
0x6d: {  	_ =	shalt  }
0x6e: {  	_ =	shalt  }
0x6f: {  	_ =	shalt  }
0x70: {  	_ =	shalt  }
0x71: {  	_ =	shalt  }
0x72: {  	_ =	shalt  }
0x73: {  	_ =	shalt  }
0x74: {  	_ =	shalt  }
0x75: {  	_ =	shalt  }
0x76: {  	_ =	shalt  }
0x77: {  	_ =	shalt  }
0x78: {  	_ =	shalt  }
0x79: {  	_ =	shalt  }
0x7a: {  	_ =	shalt  }
0x7b: {  	_ =	shalt  }
0x7c: {  	_ =	shalt  }
0x7d: {  	_ =	shalt  }
0x7e: {  	_ =	shalt  }
0x7f: {  	_ =	shalt  }
0x80: {  	_ =	shalt  }
0x81: {  	_ =	shalt  }
0x82: {  	_ =	shalt  }
0x83: {  	_ =	shalt  }
0x84: {  	_ =	shalt  }
0x85: {  	_ =	shalt  }
0x86: {  	_ =	shalt  }
0x87: {  	_ =	shalt  }
.Lfunc_end0:
.L_simem_size_0:
called_computation_lowered:
.L_overlay_start_0:
0x88: {  	s2 =	sld [smem:$0x3FD9]  }
0x89: {  	s3 =	sld [smem:$0x3FFE];
	_ =	sdelay $0x1  }
0x8a: {  	s1 =	srdreg.scid  }
0x8b: {  	s0 =	sand.u32 $0x1, s1  }
0x8c: {  	s14 =	sshll.u32 s0, $0xA;
	s2 =	sadd.s32 s3, s2  }
0x8d: {  	s2 =	sadd.s32 s2, s14  }
0x8e: {  	[smem:$0x3FBD] =	sst s2  }
0x8f: {  	_ = 	snop  }
0x90: {  	s2 =	sld [smem:$0x3FD0];
	_ =	sdelay $0x2  }
0x91: {  	s15 =	simm.s32 $0xA;
	s4 =	simm.s32 $0x10  }
0x92: {  	[smem:s4], [sflag:s15] =	dma.local [hbm:s2], $0x1  }
0x93: {  	_ =	swait.eq [sflag:s15], $0x1  }
0x94: {  	[sflag:s15] =	ssyncset.done $0x0  }
0x95: {  	[sflag:s15] =	ssyncadd.s32 $0xFFFFFFFF  }
0x96: {  	s16 =	sld [smem:$0x10];
	(tm) =	ssettm $0x1  }
0x97: {  	s17 =	sld [smem:$0x3FFB];
	_ =	sdelay $0x3  }
0x98: {  	_ =	strace s17  }
0x99: {  	s3 =	sld [smem:$0x3FFC];
	_ =	sdelay $0x3  }
0x9a: {  	_ =	strace s3  }
0x9b: {  	s3 =	sld [smem:$0x3FFD];
	_ =	sdelay $0x3  }
0x9c: {  	_ =	strace s3  }
0x9d: {  	_ =	strace $0x8FFFFFFF  }
0x9e: {  	s18 =	sld [smem:$0x3FDB];
	_ =	sdelay $0x1  }
0x9f: {  	s19 =	simm.s32 $_scs_section_size  }
0xa0: {  	s5 =	simm.s32 $_size__tile_overlayer_lowered;
	s6 =	simm.s32 $_tile_overlayer_lowered  }
0xa1: {  	s22 =	simm.s32 $0x1BFF;
	s21 =	sshll.u32 s6, $0x1;
	s3 =	sadd.s32 s19, s18  }
0xa2: {  	s7 =	simm.s32 $0x0;
	s20 =	sshll.u32 s5, $0x1;
	s5 =	sadd.s32 s21, s3  }
0xa3: {  	[timem:s7], [sflag:s22] =	dma.local [hbm:s5], s20  }
0xa4: {  	_ =	swait.ge [sflag:s22], s20  }
0xa5: {  	s4 =	ssub.s32 $0x0, s20;
	[sflag:s22] =	ssyncset.done $0x0  }
0xa6: {  	[sflag:s22] =	ssyncadd.s32 s4;
	_ =	sdelay $0x1  }
0xa7: {  	s23 =	simm.s32 $0x1B8B  }
0xa8: {  	_ =	swait.ge [sflag:s23], $0x1  }
0xa9: {  	[sflag:s23] =	ssyncset.done $0x0  }
0xaa: {  	s25 =	simm.s32 $0x1B8E;
	s24 =	sld [smem:$0x3FFE];
	[sflag:s23] =	ssyncadd.s32 $0xFFFFFFFF  }
0xab: {  	s26 =	simm.s32 $execute0_lowered;
	[smem:$0x3FD2] =	sst s25  }
0xac: {  	s5 =	sshll.u32 s26, $0x1;
	_ =	strace $0x80000046;
	[dreg:$0x1] =	wrdreg $0xFFFFFFFF  }
0xad: {  	s28 =	simm.s32 $_size_execute0_lowered;
	s3 =	sadd.s32 s3, s5;
	[dreg:$0x0] =	wrdreg $0x0  }
0xae: {  	s5 =	sshll.u32 s28, $0x1;
	[dreg:$0x2] =	wrdreg s3  }
0xaf: {  	[dreg:$0x3] =	wrdreg s5  }
0xb0: {  	[dreg:$0x4] =	wrdreg $0xC0  }
0xb1: {  	_ =	task [dreg:s7], $0x5FFFF  }
0xb2: {  	[dreg:$0x1] =	wrdreg $0xFFFFFFFF  }
0xb3: {  	[dreg:$0x0] =	wrdreg $0x60  }
0xb4: {  	[dreg:$0x2] =	wrdreg s24  }
0xb5: {  	[dreg:$0x3] =	wrdreg s16  }
0xb6: {  	[dreg:$0x4] =	wrdreg $0x9  }
0xb7: {  	_ =	task.clear_ibuf [dreg:s7], $0x5FFFF;
	_ =	strace $0x90000046  }
0xb8: {  	s29 =	simm.s32 $0x9;
	_ =	strace $0x80000048  }
0xb9: {  	_ =	swait.ge [sflag:s29], $0x1  }
0xba: {  	[sflag:s29] =	ssyncadd.s32 $0xFFFFFFFF  }
0xbb: {  	_ =	strace $0x90000048  }
0xbc: {  	_ =	sfence  }
0xbd: {  	s30 =	sld [smem:$0x0];
	_ =	sdelay $0x2  }
0xbe: {  	s31 =	sshll.u32 s1, $0xD;
	s1 =	sshrl.u32 s1, $0x2  }
0xbf: {  	s3 =	sand.u32 $0x4000, s31;
	s1 =	sadd.s32 s1, s30  }
0xc0: {  	s0 =	sor.u32 s3, s0;
	s1 =	sshll.u32 s1, $0x11  }
0xc1: {  	s0 =	sor.u32 s1, s0  }
0xc2: {  	s0 =	sadd.s32 $0x8F2B, s0  }
0xc3: {  	[sflag:s0] =	ssyncadd.remote.s32 $0x1  }
0xc4: {  	_ =	sfence.sel $0xFFFF  }
0xc5: {  	[dreg:$0x0] =	wrdreg $0xFFFFFFFF;
	(pc) =	sbr.abs _section_cstart, $3  }
0xc6: {  	[dreg:$0x1] =	wrdreg $0xFFFFFFFF  }
0xc7: {  	_ =	task.clear_ibuf [dreg:s7], $0x2FFFF;
	_ =	strace $0x9FFFFFFF  }
0xc8: {  	(tm) =	ssettm $0x7FFFFFFF  }
0xc9: {  	_ =	shalt  }
tec
execute0_lowered:
.L_overlay_start_1:
0x0: {  	(tag) =	ssettag $0x1  }
0x1: {  	s0 =	rddreg [dreg:$0x0]  }
0x2: {  	s2 =	rddreg [dreg:$0x1];
	s1 =	simm.s32 $0x0  }
0x3: {  	s5 =	srdreg.scid;
	s14 =	stileid.u32;
	s17 =	simm.s32 $0x80  }
0x4: {  	s18 =	simm.s32 $0x180;
	s19 =	simm.s32 $0x3200;
	s28 =	simm.s32 $0x5A00  }
0x5: {  	s29 =	simm.s32 $0x6200;
	s30 =	simm.s32 $0x6A00;
	s31 =	simm.s32 $0x7200  }
0x6: {  	[smem:$0x7FF] =	sst s1;
	s3 =	sadd.s32 $0x1600, s0;
	s4 =	sadd.s32 $0x4F800, s0  }
0x7: {  	s5 =	sand.u32 $0x1, s5;
	s6 =	sshll.u32 s14, $0x1;
	s7 =	sadd.s32 $0x9EC00, s0  }
0x8: {  	s8 =	sadd.s32 $0x9DA00, s0;
	s20 =	sadd.s32 $0x9E000, s0;
	s21 =	sadd.s32 $0x9E600, s0  }
0x9: {  	s22 =	sadd.s32 $0xA8C00, s0;
	_ =	strace $0x80000047;
	[dreg:$0x10] =	wrdreg s8  }
0xa: {  	s9 =	sadd.s32 $0x58AC00, s0;
	s12 =	smul.u32 $0xA, s14;
	[dreg:$0x11] =	wrdreg s20  }
0xb: {  	s6 =	sor.u32 s5, s6;
	[dreg:$0x12] =	wrdreg s21;
	s25 =	smul.u32 $0x5, s5  }
0xc: {  	s10 =	ssub.s32 $0x2, s5;
	s5 =	smul.u32 $0x500, s5;
	[dreg:$0x6] =	wrdreg s17  }
0xd: {  	s0 =	sadd.s32 $0xA3C00, s0;
	[dreg:$0x7] =	wrdreg s18;
	s6 =	smul.u32 $0x28, s6  }
0xe: {  	[dreg:$0x8] =	wrdreg s19;
	s20 =	simm.s32 $0x3A00;
	s17 =	simm.s32 $0x9  }
0xf: {  	s21 =	simm.s32 $0x4200;
	s18 =	simm.s32 $0xC980;
	s6 =	sadd.s32 $0x26C00, s6  }
0x10: {  	s19 =	simm.s32 $0xF100;
	[dreg:$0x9] =	wrdreg s20;
	s23 =	sshrl.u32 s6, $0x3  }
0x11: {  	s11 =	sshrl.u32 s10, $0x1;
	[dreg:$0xa] =	wrdreg s21;
	s13 =	sadd.s32 s7, s23  }
0x12: {  	s10 =	ssub.s32 s10, s11;
	s24 =	sadd.s32 s2, s23;
	[dreg:$0x13] =	wrdreg s13  }
0x13: {  	s6 =	sshll.u32 s6, $0x5;
	s11 =	sadd.s32 s0, s23;
	[dreg:$0x14] =	wrdreg s24  }
0x14: {  	s8 =	simm.s32 $0x3;
	s26 =	sadd.s32 s22, s6;
	[dreg:$0x15] =	wrdreg s11  }
0x15: {  	s20 =	simm.s32 $0x100;
	s6 =	sadd.s32 s9, s6;
	[dreg:$0x16] =	wrdreg s26  }
0x16: {  	s7 =	sadd.s32 s12, s7;
	s23 =	simm.s32 $0x8200;
	[dreg:$0x17] =	wrdreg s6  }
0x17: {  	s2 =	sadd.s32 s12, s2;
	s7 =	sadd.s32 s25, s7;
	[dreg:$0xc] =	wrdreg s23  }
0x18: {  	s0 =	sadd.s32 s12, s0;
	s2 =	sadd.s32 s25, s2;
	[dreg:$0x3] =	wrdreg s7  }
0x19: {  	s11 =	smul.u32 $0xA00, s14;
	s14 =	smax.u32 s10, $0x1;
	[dreg:$0x4] =	wrdreg s2  }
0x1a: {  	s21 =	simm.s32 $0x200;
	s0 =	sadd.s32 s25, s0;
	[dreg:$0x18] =	wrdreg s14  }
0x1b: {  	s12 =	simm.s32 $0x0;
	s24 =	simm.s32 $0x8A00;
	[dreg:$0x5] =	wrdreg s0  }
0x1c: {  	s25 =	simm.s32 $0x9200;
	s26 =	simm.s32 $0x9A00;
	[dreg:$0xd] =	wrdreg s24  }
0x1d: {  	s23 =	simm.s32 $0x1200;
	s6 =	simm.s32 $0x2A00;
	[dreg:$0xe] =	wrdreg s25  }
0x1e: {  	s24 =	simm.s32 $0x1A00;
	[dreg:$0xf] =	wrdreg s26;
	s25 =	simm.s32 $0x2200  }
0x1f: {  	s26 =	simm.s32 $0x5200;
	s2 =	simm.s32 $0x1;
	s13 =	sadd.s32 s11, s22  }
0x20: {  	s7 =	simm.s32 $0x7A00;
	s22 =	simm.s32 $0x4A00;
	s15 =	sadd.s32 s5, s13  }
0x21: {  	s16 =	sadd.s32 s11, s9;
	[dreg:$0xb] =	wrdreg s22;
	s0 =	sadd.s32 $0xA000, s15  }
0x22: {  	v2 =	vlaneseq.u32;
	s9 =	simm.s32 $0x4;
	[dreg:$0x19] =	wrdreg s0;
	s0 =	sadd.s32 s5, s16  }
0x23: {  	vm0 =	vmmov $0xffff;
	v1 =	vshrl.u32 v2, $0x3;
	s22 =	simm.s32 $0xA00;
	s16 =	simm.s32 $0xA200;
	s0 =	sadd.s32 $0xA000, s0  }
0x24: {  	v0 =	vand.u32 $0x7, v2;
	v2 =	vor.u32 $0x8, v2;
	v1 =	vmul.u32 $0x8, v1;
	s5 =	simm.s32 $0x2;
	[dreg:$0x1a] =	wrdreg s0;
	s0 =	simm.s32 $0x11880  }
.LBB2_1:
0x25: {  	[dreg:$0x1b] =	wrdreg s12  }
0x26: {  	s10 =	rddreg [dreg:$0x10]  }
0x27: {  	[tilespmem:s16], [sflag:$0x9] =	stream.linear.gather [hbm4b:s10+s1], $0x2780, $0x38;
	[tilespmem:$0x11900] =	vst v63  }
0x28: {  	_ =	swait.ge [sflag:s17], $0x2780  }
0x29: {  	[sflag:s17] =	ssyncset.done $0x0  }
0x2a: {  	s14 =	rddreg [dreg:$0x11];
	[sflag:s17] =	ssyncadd.s32 $0xFFFFD880  }
0x2b: {  	[tilespmem:s18], [sflag:$0x9] =	stream.linear.gather [hbm4b:s14+s1], $0x2780, $0x38;
	[tilespmem:$0x11900] =	vst v63  }
0x2c: {  	_ =	swait.ge [sflag:s17], $0x2780  }
0x2d: {  	[sflag:s17] =	ssyncset.done $0x0  }
0x2e: {  	s15 =	rddreg [dreg:$0x12];
	[sflag:s17] =	ssyncadd.s32 $0xFFFFD880  }
0x2f: {  	[tilespmem:s19], [sflag:$0x9] =	stream.linear.gather [hbm4b:s15+s1], $0x2780, $0x38;
	[tilespmem:$0x11900] =	vst v63  }
0x30: {  	_ =	swait.ge [sflag:s17], $0x2780  }
0x31: {  	[sflag:s17] =	ssyncset.done $0x0;
	s15 =	rddreg [dreg:$0x1a]  }
0x32: {  	s13 =	simm.s32 $0x0;
	s12 =	rddreg [dreg:$0x19];
	[sflag:s17] =	ssyncadd.s32 $0xFFFFD880  }
.LBB2_2:
0x33: {  	p0 =	seq.s32 s13, $0x0  }
0x34: {  	s10 =	simm.s32 @!p0 $0x5  }
0x35: {  	_ =	swait.ge @!p0 [sflag:s10], $0x2800  }
0x36: {  	[sflag:s10] =	ssyncset.done @!p0 $0x0  }
0x37: {  	[sflag:s10] =	ssyncadd.s32 @!p0 $0xFFFFD800;
	s10 =	simm.s32 @!p0 $0x6  }
0x38: {  	_ =	swait.ge @!p0 [sflag:s10], $0x2800  }
0x39: {  	s11 =	rddreg [dreg:$0x3];
	[sflag:s10] =	ssyncset.done @!p0 $0x0  }
0x3a: {  	[sflag:s10] =	ssyncadd.s32 @!p0 $0xFFFFD800;
	s11 =	sadd.s32 s13, s11  }
0x3b: {  	[tilespmem:s1], [sflag:$0x9] =	stream.linear.gather [hbm4b:s11+s1], $0x28, $0x38;
	[tilespmem:$0x11900] =	vst v63  }
0x3c: {  	_ =	swait.ge [sflag:s17], $0x28  }
0x3d: {  	s14 =	rddreg [dreg:$0x4];
	[sflag:s17] =	ssyncset.done $0x0  }
0x3e: {  	[sflag:s17] =	ssyncadd.s32 $0xFFFFFFD8;
	s14 =	sadd.s32 s13, s14  }
0x3f: {  	[tilespmem:s20], [sflag:$0x9] =	stream.linear.gather [hbm4b:s14+s1], $0x28, $0x38;
	[tilespmem:$0x11900] =	vst v63  }
0x40: {  	_ =	swait.ge [sflag:s17], $0x28  }
0x41: {  	[sflag:s17] =	ssyncset.done $0x0  }
0x42: {  	[sflag:s17] =	ssyncadd.s32 $0xFFFFFFD8  }
0x43: {  	v3 =	vld [tilespmem:$0x0];
	_ =	sdelay $0x4  }
0x44: {  	v4 =	vshll.u32 v3, $0x1  }
0x45: {  	v3 =	vand.u32 $0x7, v3;
	v4 =	vand.u32 $0xFFFFFFF0, v4  }
0x46: {  	v3 =	vor.u32 v3, v4  }
0x47: {  	v4 =	vperm.xlane v3, v0;
	_ =	sdelay $0x1  }
0x48: {  	v3 =	vperm.xlane v3, v2;
	v4 =	vadd.s32 v1, v4;
	_ =	sdelay $0x1  }
0x49: {  	v3 =	vadd.s32 v1, v3;
	_ =	sdelay $0x2  }
0x4a: {  	[tilespmem:s21], [sflag:$0x1] =	stream.indirect_vreg.gather [hbm4b:s3+s1], $0x80, v4, vm0, $0xb8;
	[tilespmem:$0x11900] =	vst v63  }
0x4b: {  	_ = 	snop  }
0x4c: {  	[tilespmem:s22], [sflag:$0x1] =	stream.indirect_vreg.gather [hbm4b:s3+s1], $0x80, v3, vm0, $0xb8;
	[tilespmem:$0x11900] =	vst v63  }
0x4d: {  	v3 =	vld [tilespmem:$0x10];
	_ =	sdelay $0x4  }
0x4e: {  	v13 =	vshll.u32 v3, $0x1  }
0x4f: {  	v3 =	vand.u32 $0x7, v3;
	v4 =	vand.u32 $0xFFFFFFF0, v13  }
0x50: {  	v3 =	vor.u32 v3, v4  }
0x51: {  	v4 =	vperm.xlane v3, v0;
	_ =	sdelay $0x1  }
0x52: {  	v3 =	vperm.xlane v3, v2;
	v4 =	vadd.s32 v1, v4;
	_ =	sdelay $0x1  }
0x53: {  	v3 =	vadd.s32 v1, v3;
	_ =	sdelay $0x2  }
0x54: {  	[tilespmem:s23], [sflag:$0x1] =	stream.indirect_vreg.gather [hbm4b:s3+s1], $0x80, v4, vm0, $0xb8;
	[tilespmem:$0x11900] =	vst v63  }
0x55: {  	_ = 	snop  }
0x56: {  	[tilespmem:s24], [sflag:$0x1] =	stream.indirect_vreg.gather [hbm4b:s3+s1], $0x80, v3, vm0, $0xb8;
	[tilespmem:$0x11900] =	vst v63  }
0x57: {  	v3 =	vld.msk [tilespmem:$0x20], $0xff;
	_ =	sdelay $0x4  }
0x58: {  	v14 =	vshll.u32 v3, $0x1  }
0x59: {  	v3 =	vand.u32 $0x7, v3;
	v4 =	vand.u32 $0xFFFFFFF0, v14  }
0x5a: {  	v3 =	vor.u32 v3, v4  }
0x5b: {  	v3 =	vperm.xlane v3, v0;
	_ =	sdelay $0x1  }
0x5c: {  	v3 =	vadd.s32 v1, v3;
	_ =	sdelay $0x4  }
0x5d: {  	[tilespmem:s25], [sflag:$0x1] =	stream.indirect_vreg.gather [hbm4b:s3+s1], $0x80, v3, vm0, $0xb8;
	[tilespmem:$0x11900] =	vst v63  }
0x5e: {  	v3 =	vld [tilespmem:$0x100];
	_ =	sdelay $0x4  }
0x5f: {  	v15 =	vshll.u32 v3, $0x1  }
0x60: {  	v3 =	vand.u32 $0x7, v3;
	v4 =	vand.u32 $0xFFFFFFF0, v15  }
0x61: {  	v3 =	vor.u32 v3, v4  }
0x62: {  	v4 =	vperm.xlane v3, v0;
	_ =	sdelay $0x1  }
0x63: {  	v3 =	vperm.xlane v3, v2;
	v4 =	vadd.s32 v1, v4;
	_ =	sdelay $0x1  }
0x64: {  	v3 =	vadd.s32 v1, v3;
	_ =	sdelay $0x2  }
0x65: {  	[tilespmem:s26], [sflag:$0x2] =	stream.indirect_vreg.gather [hbm4b:s4+s1], $0x80, v4, vm0, $0xb8;
	[tilespmem:$0x11900] =	vst v63  }
0x66: {  	_ = 	snop  }
0x67: {  	[tilespmem:s28], [sflag:$0x2] =	stream.indirect_vreg.gather [hbm4b:s4+s1], $0x80, v3, vm0, $0xb8;
	[tilespmem:$0x11900] =	vst v63  }
0x68: {  	v3 =	vld [tilespmem:$0x110];
	_ =	sdelay $0x4  }
0x69: {  	v16 =	vshll.u32 v3, $0x1  }
0x6a: {  	v3 =	vand.u32 $0x7, v3;
	v4 =	vand.u32 $0xFFFFFFF0, v16  }
0x6b: {  	v3 =	vor.u32 v3, v4  }
0x6c: {  	v4 =	vperm.xlane v3, v0;
	_ =	sdelay $0x1  }
0x6d: {  	v3 =	vperm.xlane v3, v2;
	v4 =	vadd.s32 v1, v4;
	_ =	sdelay $0x1  }
0x6e: {  	v3 =	vadd.s32 v1, v3;
	_ =	sdelay $0x2  }
0x6f: {  	[tilespmem:s29], [sflag:$0x2] =	stream.indirect_vreg.gather [hbm4b:s4+s1], $0x80, v4, vm0, $0xb8;
	[tilespmem:$0x11900] =	vst v63  }
0x70: {  	_ = 	snop  }
0x71: {  	[tilespmem:s30], [sflag:$0x2] =	stream.indirect_vreg.gather [hbm4b:s4+s1], $0x80, v3, vm0, $0xb8;
	[tilespmem:$0x11900] =	vst v63  }
0x72: {  	v3 =	vld.msk [tilespmem:$0x120], $0xff;
	_ =	sdelay $0x4  }
0x73: {  	v17 =	vshll.u32 v3, $0x1  }
0x74: {  	v3 =	vand.u32 $0x7, v3;
	v4 =	vand.u32 $0xFFFFFFF0, v17  }
0x75: {  	v3 =	vor.u32 v3, v4  }
0x76: {  	v3 =	vperm.xlane v3, v0;
	_ =	sdelay $0x1  }
0x77: {  	v3 =	vadd.s32 v1, v3;
	_ =	sdelay $0x4  }
0x78: {  	[tilespmem:s31], [sflag:$0x2] =	stream.indirect_vreg.gather [hbm4b:s4+s1], $0x80, v3, vm0, $0xb8;
	[tilespmem:$0x11900] =	vst v63  }
0x79: {  	v3 =	vld [tilespmem:$0x0]  }
0x7a: {  	v18 =	vld [tilespmem:$0x100];
	_ =	sdelay $0x6  }
0x7b: {  	v5 =	vld.idx.msk [tilespmem:v3+s16+$0x0], $0xffff  }
0x7c: {  	v6 =	vld.idx.msk [tilespmem:v18+s16+$0x0], $0xffff  }
0x7d: {  	v7 =	vld.idx.msk [tilespmem:v3+s18+$0x0], $0xffff  }
0x7e: {  	v8 =	vld.idx.msk [tilespmem:v18+s18+$0x0], $0xffff  }
0x7f: {  	v3 =	vld.idx.msk [tilespmem:v3+s19+$0x0], $0xffff  }
0x80: {  	v4 =	vld.idx.msk [tilespmem:v18+s19+$0x0], $0xffff;
	_ =	sdelay $0x2  }
0x81: {  	v5 =	vsub.f32 v5, v6;
	v19 =	vsub.f32 v7, v8  }
0x82: {  	v20 =	vld [tilespmem:$0x10]  }
0x83: {  	v23 =	vld [tilespmem:$0x110];
	v3 =	vsub.f32 v3, v4;
	v21 =	vmul.f32 v5, v5;
	v22 =	vmul.f32 v19, v19;
	_ =	sdelay $0x1  }
0x84: {  	v3 =	vmul.f32 v3, v3;
	v4 =	vadd.f32 v22, v21;
	_ =	sdelay $0x1  }
0x85: {  	v3 =	vadd.f32 v3, v4;
	_ =	sdelay $0x1  }
0x86: {  	[tilespmem:$0x11880] =	vst v3  }
0x87: {  	v3 =	vld.idx.msk [tilespmem:v20+s16+$0x0], $0xffff  }
0x88: {  	v24 =	vld.idx.msk [tilespmem:v23+s16+$0x0], $0xffff  }
0x89: {  	v25 =	vld.idx.msk [tilespmem:v20+s18+$0x0], $0xffff  }
0x8a: {  	v26 =	vld.idx.msk [tilespmem:v23+s18+$0x0], $0xffff  }
0x8b: {  	v7 =	vld.idx.msk [tilespmem:v20+s19+$0x0], $0xffff  }
0x8c: {  	v6 =	vld.idx.msk [tilespmem:v23+s19+$0x0], $0xffff;
	_ =	sdelay $0x2  }
0x8d: {  	v3 =	vsub.f32 v3, v24;
	v27 =	vsub.f32 v25, v26  }
0x8e: {  	v28 =	vld [tilespmem:$0x18]  }
0x8f: {  	v29 =	vld [tilespmem:$0x118];
	v6 =	vsub.f32 v7, v6;
	v3 =	vmul.f32 v3, v3;
	v4 =	vmul.f32 v27, v27;
	_ =	sdelay $0x1  }
0x90: {  	v30 =	vmul.f32 v6, v6;
	v3 =	vadd.f32 v4, v3;
	_ =	sdelay $0x1  }
0x91: {  	v3 =	vadd.f32 v30, v3;
	_ =	sdelay $0x1  }
0x92: {  	[tilespmem:$0x11890] =	vst v3  }
0x93: {  	v3 =	vld.idx.msk [tilespmem:v28+s16+$0x0], $0xffff  }
0x94: {  	v31 =	vld.idx.msk [tilespmem:v29+s16+$0x0], $0xffff  }
0x95: {  	v32 =	vld.idx.msk [tilespmem:v28+s18+$0x0], $0xffff  }
0x96: {  	v33 =	vld.idx.msk [tilespmem:v29+s18+$0x0], $0xffff  }
0x97: {  	v5 =	vld.idx.msk [tilespmem:v28+s19+$0x0], $0xffff  }
0x98: {  	v7 =	vld.idx.msk [tilespmem:v29+s19+$0x0], $0xffff;
	_ =	sdelay $0x2  }
0x99: {  	v3 =	vsub.f32 v3, v31;
	v34 =	vsub.f32 v32, v33;
	_ =	sdelay $0x1  }
0x9a: {  	v5 =	vsub.f32 v5, v7;
	v3 =	vmul.f32 v3, v3;
	v4 =	vmul.f32 v34, v34;
	_ =	sdelay $0x1  }
0x9b: {  	v35 =	vmul.f32 v5, v5;
	v3 =	vadd.f32 v4, v3;
	_ =	sdelay $0x1  }
0x9c: {  	v3 =	vadd.f32 v35, v3  }
0x9d: {  	s20 =	rddreg [dreg:$0x5]  }
0x9e: {  	s10 =	sadd.s32 s13, s20;
	[tilespmem:$0x11898] =	vst v3  }
0x9f: {  	[hbm4b:s10+s1] =	stream.linear.scatter [tilespmem:s0], [sflag:$0x9], $0x28, $0x38;
	[tilespmem:$0x11900] =	vst v63  }
0xa0: {  	_ =	swait.ge [sflag:s17], $0x28  }
0xa1: {  	[sflag:s17] =	ssyncset.done $0x0  }
0xa2: {  	[sflag:s17] =	ssyncadd.s32 $0xFFFFFFD8  }
0xa3: {  	_ =	swait.ge [sflag:s2], $0x2800  }
0xa4: {  	[sflag:s2] =	ssyncset.done $0x0  }
0xa5: {  	s22 =	sadd.s32 $0xFFFF6000, s12;
	[sflag:s2] =	ssyncadd.s32 $0xFFFFD800  }
0xa6: {  	[hbm4b:s22+s1] =	stream.linear.scatter [tilespmem:s21], [sflag:$0x5], $0x2800, $0x38;
	[tilespmem:$0x11900] =	vst v63  }
0xa7: {  	_ =	swait.ge [sflag:s5], $0x2800  }
0xa8: {  	[sflag:s5] =	ssyncset.done $0x0  }
0xa9: {  	s20 =	simm.s32 @!p0 $0x7;
	s22 =	sadd.s32 $0xFFFF6000, s15;
	[sflag:s5] =	ssyncadd.s32 $0xFFFFD800  }
0xaa: {  	[hbm4b:s22+s1] =	stream.linear.scatter [tilespmem:s26], [sflag:$0x6], $0x2800, $0x38;
	[tilespmem:$0x11900] =	vst v63  }
0xab: {  	_ =	swait.ge @!p0 [sflag:s20], $0x2800  }
0xac: {  	[sflag:s20] =	ssyncset.done @!p0 $0x0  }
0xad: {  	[sflag:s20] =	ssyncadd.s32 @!p0 $0xFFFFD800;
	s20 =	simm.s32 @!p0 $0x8  }
0xae: {  	_ =	swait.ge @!p0 [sflag:s20], $0x2800  }
0xaf: {  	[sflag:s20] =	ssyncset.done @!p0 $0x0  }
0xb0: {  	s11 =	sadd.s32 $0xA0, s11;
	s22 =	rddreg [dreg:$0x6];
	[sflag:s20] =	ssyncadd.s32 @!p0 $0xFFFFD800  }
0xb1: {  	[tilespmem:s22], [sflag:$0x9] =	stream.linear.gather [hbm4b:s11+s1], $0x28, $0x38;
	[tilespmem:$0x11900] =	vst v63  }
0xb2: {  	_ =	swait.ge [sflag:s17], $0x28  }
0xb3: {  	[sflag:s17] =	ssyncset.done $0x0  }
0xb4: {  	s14 =	sadd.s32 $0xA0, s14;
	s11 =	rddreg [dreg:$0x7];
	[sflag:s17] =	ssyncadd.s32 $0xFFFFFFD8  }
0xb5: {  	[tilespmem:s11], [sflag:$0x9] =	stream.linear.gather [hbm4b:s14+s1], $0x28, $0x38;
	[tilespmem:$0x11900] =	vst v63  }
0xb6: {  	_ =	swait.ge [sflag:s17], $0x28  }
0xb7: {  	[sflag:s17] =	ssyncset.done $0x0  }
0xb8: {  	[sflag:s17] =	ssyncadd.s32 $0xFFFFFFD8  }
0xb9: {  	v3 =	vld [tilespmem:$0x80];
	_ =	sdelay $0x4  }
0xba: {  	v36 =	vshll.u32 v3, $0x1  }
0xbb: {  	v3 =	vand.u32 $0x7, v3;
	v4 =	vand.u32 $0xFFFFFFF0, v36  }
0xbc: {  	v3 =	vor.u32 v3, v4  }
0xbd: {  	v4 =	vperm.xlane v3, v0;
	_ =	sdelay $0x1  }
0xbe: {  	v3 =	vperm.xlane v3, v2;
	v4 =	vadd.s32 v1, v4;
	_ =	sdelay $0x1  }
0xbf: {  	v3 =	vadd.s32 v1, v3;
	_ =	sdelay $0x2  }
0xc0: {  	[tilespmem:s6], [sflag:$0x3] =	stream.indirect_vreg.gather [hbm4b:s3+s1], $0x80, v4, vm0, $0xb8;
	[tilespmem:$0x11900] =	vst v63  }
0xc1: {  	s14 =	rddreg [dreg:$0x8]  }
0xc2: {  	[tilespmem:s14], [sflag:$0x3] =	stream.indirect_vreg.gather [hbm4b:s3+s1], $0x80, v3, vm0, $0xb8;
	[tilespmem:$0x11900] =	vst v63  }
0xc3: {  	v3 =	vld [tilespmem:$0x90];
	_ =	sdelay $0x4  }
0xc4: {  	v37 =	vshll.u32 v3, $0x1  }
0xc5: {  	v3 =	vand.u32 $0x7, v3;
	v4 =	vand.u32 $0xFFFFFFF0, v37  }
0xc6: {  	v3 =	vor.u32 v3, v4  }
0xc7: {  	v4 =	vperm.xlane v3, v0;
	_ =	sdelay $0x1  }
0xc8: {  	v3 =	vperm.xlane v3, v2;
	v4 =	vadd.s32 v1, v4;
	_ =	sdelay $0x1  }
0xc9: {  	v3 =	vadd.s32 v1, v3;
	_ =	sdelay $0x1  }
0xca: {  	s11 =	rddreg [dreg:$0x9]  }
0xcb: {  	[tilespmem:s11], [sflag:$0x3] =	stream.indirect_vreg.gather [hbm4b:s3+s1], $0x80, v4, vm0, $0xb8;
	[tilespmem:$0x11900] =	vst v63  }
0xcc: {  	s14 =	rddreg [dreg:$0xa]  }
0xcd: {  	[tilespmem:s14], [sflag:$0x3] =	stream.indirect_vreg.gather [hbm4b:s3+s1], $0x80, v3, vm0, $0xb8;
	[tilespmem:$0x11900] =	vst v63  }
0xce: {  	v3 =	vld.msk [tilespmem:$0xA0], $0xff;
	_ =	sdelay $0x4  }
0xcf: {  	v38 =	vshll.u32 v3, $0x1  }
0xd0: {  	v3 =	vand.u32 $0x7, v3;
	v4 =	vand.u32 $0xFFFFFFF0, v38  }
0xd1: {  	v3 =	vor.u32 v3, v4  }
0xd2: {  	v3 =	vperm.xlane v3, v0;
	_ =	sdelay $0x1  }
0xd3: {  	v3 =	vadd.s32 v1, v3;
	_ =	sdelay $0x3  }
0xd4: {  	s14 =	rddreg [dreg:$0xb]  }
0xd5: {  	[tilespmem:s14], [sflag:$0x3] =	stream.indirect_vreg.gather [hbm4b:s3+s1], $0x80, v3, vm0, $0xb8;
	[tilespmem:$0x11900] =	vst v63  }
0xd6: {  	v3 =	vld [tilespmem:$0x180];
	_ =	sdelay $0x4  }
0xd7: {  	v39 =	vshll.u32 v3, $0x1  }
0xd8: {  	v3 =	vand.u32 $0x7, v3;
	v4 =	vand.u32 $0xFFFFFFF0, v39  }
0xd9: {  	v3 =	vor.u32 v3, v4  }
0xda: {  	v4 =	vperm.xlane v3, v0;
	_ =	sdelay $0x1  }
0xdb: {  	v3 =	vperm.xlane v3, v2;
	v4 =	vadd.s32 v1, v4;
	_ =	sdelay $0x1  }
0xdc: {  	v3 =	vadd.s32 v1, v3;
	_ =	sdelay $0x2  }
0xdd: {  	[tilespmem:s7], [sflag:$0x4] =	stream.indirect_vreg.gather [hbm4b:s4+s1], $0x80, v4, vm0, $0xb8;
	[tilespmem:$0x11900] =	vst v63  }
0xde: {  	s14 =	rddreg [dreg:$0xc]  }
0xdf: {  	[tilespmem:s14], [sflag:$0x4] =	stream.indirect_vreg.gather [hbm4b:s4+s1], $0x80, v3, vm0, $0xb8;
	[tilespmem:$0x11900] =	vst v63  }
0xe0: {  	v3 =	vld [tilespmem:$0x190];
	_ =	sdelay $0x4  }
0xe1: {  	v40 =	vshll.u32 v3, $0x1  }
0xe2: {  	v3 =	vand.u32 $0x7, v3;
	v4 =	vand.u32 $0xFFFFFFF0, v40  }
0xe3: {  	v3 =	vor.u32 v3, v4  }
0xe4: {  	v4 =	vperm.xlane v3, v0;
	_ =	sdelay $0x1  }
0xe5: {  	v3 =	vperm.xlane v3, v2;
	v4 =	vadd.s32 v1, v4;
	_ =	sdelay $0x1  }
0xe6: {  	v3 =	vadd.s32 v1, v3;
	_ =	sdelay $0x1  }
0xe7: {  	s11 =	rddreg [dreg:$0xd]  }
0xe8: {  	[tilespmem:s11], [sflag:$0x4] =	stream.indirect_vreg.gather [hbm4b:s4+s1], $0x80, v4, vm0, $0xb8;
	[tilespmem:$0x11900] =	vst v63  }
0xe9: {  	s14 =	rddreg [dreg:$0xe]  }
0xea: {  	[tilespmem:s14], [sflag:$0x4] =	stream.indirect_vreg.gather [hbm4b:s4+s1], $0x80, v3, vm0, $0xb8;
	[tilespmem:$0x11900] =	vst v63  }
0xeb: {  	v3 =	vld.msk [tilespmem:$0x1A0], $0xff;
	_ =	sdelay $0x4  }
0xec: {  	v41 =	vshll.u32 v3, $0x1  }
0xed: {  	v3 =	vand.u32 $0x7, v3;
	v4 =	vand.u32 $0xFFFFFFF0, v41  }
0xee: {  	v3 =	vor.u32 v3, v4  }
0xef: {  	v3 =	vperm.xlane v3, v0;
	_ =	sdelay $0x1  }
0xf0: {  	v3 =	vadd.s32 v1, v3;
	_ =	sdelay $0x3  }
0xf1: {  	s14 =	rddreg [dreg:$0xf]  }
0xf2: {  	[tilespmem:s14], [sflag:$0x4] =	stream.indirect_vreg.gather [hbm4b:s4+s1], $0x80, v3, vm0, $0xb8;
	[tilespmem:$0x11900] =	vst v63  }
0xf3: {  	v3 =	vld [tilespmem:$0x80]  }
0xf4: {  	v42 =	vld [tilespmem:$0x180];
	_ =	sdelay $0x6  }
0xf5: {  	v43 =	vld.idx.msk [tilespmem:v3+s16+$0x0], $0xffff  }
0xf6: {  	v44 =	vld.idx.msk [tilespmem:v42+s16+$0x0], $0xffff  }
0xf7: {  	v45 =	vld.idx.msk [tilespmem:v3+s18+$0x0], $0xffff  }
0xf8: {  	v46 =	vld.idx.msk [tilespmem:v42+s18+$0x0], $0xffff  }
0xf9: {  	v3 =	vld.idx.msk [tilespmem:v3+s19+$0x0], $0xffff  }
0xfa: {  	v4 =	vld.idx.msk [tilespmem:v42+s19+$0x0], $0xffff;
	_ =	sdelay $0x2  }
0xfb: {  	v5 =	vsub.f32 v43, v44;
	v47 =	vsub.f32 v45, v46  }
0xfc: {  	v48 =	vld [tilespmem:$0x90]  }
0xfd: {  	v51 =	vld [tilespmem:$0x190];
	v3 =	vsub.f32 v3, v4;
	v49 =	vmul.f32 v5, v5;
	v50 =	vmul.f32 v47, v47;
	_ =	sdelay $0x1  }
0xfe: {  	v3 =	vmul.f32 v3, v3;
	v4 =	vadd.f32 v50, v49;
	_ =	sdelay $0x1  }
0xff: {  	v3 =	vadd.f32 v3, v4;
	_ =	sdelay $0x1  }
0x100: {  	[tilespmem:$0x11880] =	vst v3  }
0x101: {  	v3 =	vld.idx.msk [tilespmem:v48+s16+$0x0], $0xffff  }
0x102: {  	v52 =	vld.idx.msk [tilespmem:v51+s16+$0x0], $0xffff  }
0x103: {  	v53 =	vld.idx.msk [tilespmem:v48+s18+$0x0], $0xffff  }
0x104: {  	v54 =	vld.idx.msk [tilespmem:v51+s18+$0x0], $0xffff  }
0x105: {  	v7 =	vld.idx.msk [tilespmem:v48+s19+$0x0], $0xffff  }
0x106: {  	v6 =	vld.idx.msk [tilespmem:v51+s19+$0x0], $0xffff;
	_ =	sdelay $0x2  }
0x107: {  	v3 =	vsub.f32 v3, v52;
	v55 =	vsub.f32 v53, v54  }
0x108: {  	v56 =	vld [tilespmem:$0x98]  }
0x109: {  	v57 =	vld [tilespmem:$0x198];
	v6 =	vsub.f32 v7, v6;
	v3 =	vmul.f32 v3, v3;
	v4 =	vmul.f32 v55, v55;
	_ =	sdelay $0x1  }
0x10a: {  	v58 =	vmul.f32 v6, v6;
	v3 =	vadd.f32 v4, v3;
	_ =	sdelay $0x1  }
0x10b: {  	v3 =	vadd.f32 v58, v3;
	_ =	sdelay $0x1  }
0x10c: {  	[tilespmem:$0x11890] =	vst v3  }
0x10d: {  	v3 =	vld.idx.msk [tilespmem:v56+s16+$0x0], $0xffff  }
0x10e: {  	v59 =	vld.idx.msk [tilespmem:v57+s16+$0x0], $0xffff  }
0x10f: {  	v60 =	vld.idx.msk [tilespmem:v56+s18+$0x0], $0xffff  }
0x110: {  	v61 =	vld.idx.msk [tilespmem:v57+s18+$0x0], $0xffff  }
0x111: {  	v5 =	vld.idx.msk [tilespmem:v56+s19+$0x0], $0xffff  }
0x112: {  	v7 =	vld.idx.msk [tilespmem:v57+s19+$0x0], $0xffff;
	_ =	sdelay $0x2  }
0x113: {  	v3 =	vsub.f32 v3, v59;
	v62 =	vsub.f32 v60, v61;
	_ =	sdelay $0x1  }
0x114: {  	v5 =	vsub.f32 v5, v7;
	v3 =	vmul.f32 v3, v3;
	v4 =	vmul.f32 v62, v62;
	_ =	sdelay $0x1  }
0x115: {  	v63 =	vmul.f32 v5, v5;
	v3 =	vadd.f32 v4, v3;
	_ =	sdelay $0x1  }
0x116: {  	v3 =	vadd.f32 v63, v3;
	_ =	sdelay $0x1  }
0x117: {  	s10 =	sadd.s32 $0xA0, s10;
	[tilespmem:$0x11898] =	vst v3  }
0x118: {  	[hbm4b:s10+s1] =	stream.linear.scatter [tilespmem:s0], [sflag:$0x9], $0x28, $0x38;
	[tilespmem:$0x11900] =	vst v63  }
0x119: {  	_ =	swait.ge [sflag:s17], $0x28  }
0x11a: {  	[sflag:s17] =	ssyncset.done $0x0  }
0x11b: {  	[sflag:s17] =	ssyncadd.s32 $0xFFFFFFD8  }
0x11c: {  	_ =	swait.ge [sflag:s8], $0x2800  }
0x11d: {  	s13 =	sadd.s32 $0x140, s13;
	[sflag:s8] =	ssyncset.done $0x0  }
0x11e: {  	p0 =	sne.s32 s13, $0x4D80;
	[sflag:s8] =	ssyncadd.s32 $0xFFFFD800  }
0x11f: {  	[hbm4b:s12+s1] =	stream.linear.scatter [tilespmem:s6], [sflag:$0x7], $0x2800, $0x38;
	[tilespmem:$0x11900] =	vst v63  }
.Ltmp0:
0x120: {  	_ =	swait.ge [sflag:s9], $0x2800;
	(pc) =	sbr.rel @p0 .LBB2_2-.Ltmp0, $4  }
0x121: {  	[sflag:s9] =	ssyncset.done $0x0  }
0x122: {  	s20 =	simm.s32 $0x100;
	[sflag:s9] =	ssyncadd.s32 $0xFFFFD800  }
0x123: {  	[hbm4b:s15+s1] =	stream.linear.scatter [tilespmem:s7], [sflag:$0x8], $0x2800, $0x38;
	[tilespmem:$0x11900] =	vst v63  }
0x124: {  	s22 =	simm.s32 $0xA00;
	s12 =	sadd.s32 $0x14000, s12;
	s15 =	sadd.s32 $0x14000, s15  }
0x125: {  	s11 =	simm.s32 $0x5  }
0x126: {  	_ =	swait.ge [sflag:s11], $0x2800  }
0x127: {  	[sflag:s11] =	ssyncset.done $0x0  }
0x128: {  	s12 =	simm.s32 $0x6;
	[sflag:s11] =	ssyncadd.s32 $0xFFFFD800  }
0x129: {  	_ =	swait.ge [sflag:s12], $0x2800  }
0x12a: {  	[sflag:s12] =	ssyncset.done $0x0  }
0x12b: {  	s10 =	rddreg [dreg:$0x13];
	[sflag:s12] =	ssyncadd.s32 $0xFFFFD800  }
0x12c: {  	[tilespmem:s1], [sflag:$0x9] =	stream.linear.gather [hbm4b:s10+s1], $0x28, $0x38;
	[tilespmem:$0x11900] =	vst v63  }
0x12d: {  	_ =	swait.ge [sflag:s17], $0x28  }
0x12e: {  	[sflag:s17] =	ssyncset.done $0x0  }
0x12f: {  	s15 =	rddreg [dreg:$0x14];
	[sflag:s17] =	ssyncadd.s32 $0xFFFFFFD8  }
0x130: {  	[tilespmem:s20], [sflag:$0x9] =	stream.linear.gather [hbm4b:s15+s1], $0x28, $0x38;
	[tilespmem:$0x11900] =	vst v63  }
0x131: {  	_ =	swait.ge [sflag:s17], $0x28  }
0x132: {  	[sflag:s17] =	ssyncset.done $0x0  }
0x133: {  	[sflag:s17] =	ssyncadd.s32 $0xFFFFFFD8  }
0x134: {  	v3 =	vld [tilespmem:$0x0];
	_ =	sdelay $0x4  }
0x135: {  	v4 =	vshll.u32 v3, $0x1  }
0x136: {  	v3 =	vand.u32 $0x7, v3;
	v4 =	vand.u32 $0xFFFFFFF0, v4  }
0x137: {  	v3 =	vor.u32 v3, v4  }
0x138: {  	v4 =	vperm.xlane v3, v0;
	_ =	sdelay $0x1  }
0x139: {  	v3 =	vperm.xlane v3, v2;
	v4 =	vadd.s32 v1, v4;
	_ =	sdelay $0x1  }
0x13a: {  	v3 =	vadd.s32 v1, v3;
	_ =	sdelay $0x2  }
0x13b: {  	[tilespmem:s21], [sflag:$0x1] =	stream.indirect_vreg.gather [hbm4b:s3+s1], $0x80, v4, vm0, $0xb8;
	[tilespmem:$0x11900] =	vst v63  }
0x13c: {  	_ = 	snop  }
0x13d: {  	[tilespmem:s22], [sflag:$0x1] =	stream.indirect_vreg.gather [hbm4b:s3+s1], $0x80, v3, vm0, $0xb8;
	[tilespmem:$0x11900] =	vst v63  }
0x13e: {  	v3 =	vld [tilespmem:$0x10];
	_ =	sdelay $0x4  }
0x13f: {  	v41 =	vshll.u32 v3, $0x1  }
0x140: {  	v3 =	vand.u32 $0x7, v3;
	v4 =	vand.u32 $0xFFFFFFF0, v41  }
0x141: {  	v3 =	vor.u32 v3, v4  }
0x142: {  	v4 =	vperm.xlane v3, v0;
	_ =	sdelay $0x1  }
0x143: {  	v3 =	vperm.xlane v3, v2;
	v4 =	vadd.s32 v1, v4;
	_ =	sdelay $0x1  }
0x144: {  	v3 =	vadd.s32 v1, v3;
	_ =	sdelay $0x2  }
0x145: {  	[tilespmem:s23], [sflag:$0x1] =	stream.indirect_vreg.gather [hbm4b:s3+s1], $0x80, v4, vm0, $0xb8;
	[tilespmem:$0x11900] =	vst v63  }
0x146: {  	_ = 	snop  }
0x147: {  	[tilespmem:s24], [sflag:$0x1] =	stream.indirect_vreg.gather [hbm4b:s3+s1], $0x80, v3, vm0, $0xb8;
	[tilespmem:$0x11900] =	vst v63  }
0x148: {  	v3 =	vld.msk [tilespmem:$0x20], $0xff;
	_ =	sdelay $0x4  }
0x149: {  	v42 =	vshll.u32 v3, $0x1  }
0x14a: {  	v3 =	vand.u32 $0x7, v3;
	v4 =	vand.u32 $0xFFFFFFF0, v42  }
0x14b: {  	v3 =	vor.u32 v3, v4  }
0x14c: {  	v3 =	vperm.xlane v3, v0;
	_ =	sdelay $0x1  }
0x14d: {  	v3 =	vadd.s32 v1, v3;
	_ =	sdelay $0x4  }
0x14e: {  	[tilespmem:s25], [sflag:$0x1] =	stream.indirect_vreg.gather [hbm4b:s3+s1], $0x80, v3, vm0, $0xb8;
	[tilespmem:$0x11900] =	vst v63  }
0x14f: {  	v3 =	vld [tilespmem:$0x100];
	_ =	sdelay $0x4  }
0x150: {  	v43 =	vshll.u32 v3, $0x1  }
0x151: {  	v3 =	vand.u32 $0x7, v3;
	v4 =	vand.u32 $0xFFFFFFF0, v43  }
0x152: {  	v3 =	vor.u32 v3, v4  }
0x153: {  	v4 =	vperm.xlane v3, v0;
	_ =	sdelay $0x1  }
0x154: {  	v3 =	vperm.xlane v3, v2;
	v4 =	vadd.s32 v1, v4;
	_ =	sdelay $0x1  }
0x155: {  	v3 =	vadd.s32 v1, v3;
	_ =	sdelay $0x2  }
0x156: {  	[tilespmem:s26], [sflag:$0x2] =	stream.indirect_vreg.gather [hbm4b:s4+s1], $0x80, v4, vm0, $0xb8;
	[tilespmem:$0x11900] =	vst v63  }
0x157: {  	_ = 	snop  }
0x158: {  	[tilespmem:s28], [sflag:$0x2] =	stream.indirect_vreg.gather [hbm4b:s4+s1], $0x80, v3, vm0, $0xb8;
	[tilespmem:$0x11900] =	vst v63  }
0x159: {  	v3 =	vld [tilespmem:$0x110];
	_ =	sdelay $0x4  }
0x15a: {  	v44 =	vshll.u32 v3, $0x1  }
0x15b: {  	v3 =	vand.u32 $0x7, v3;
	v4 =	vand.u32 $0xFFFFFFF0, v44  }
0x15c: {  	v3 =	vor.u32 v3, v4  }
0x15d: {  	v4 =	vperm.xlane v3, v0;
	_ =	sdelay $0x1  }
0x15e: {  	v3 =	vperm.xlane v3, v2;
	v4 =	vadd.s32 v1, v4;
	_ =	sdelay $0x1  }
0x15f: {  	v3 =	vadd.s32 v1, v3;
	_ =	sdelay $0x2  }
0x160: {  	[tilespmem:s29], [sflag:$0x2] =	stream.indirect_vreg.gather [hbm4b:s4+s1], $0x80, v4, vm0, $0xb8;
	[tilespmem:$0x11900] =	vst v63  }
0x161: {  	_ = 	snop  }
0x162: {  	[tilespmem:s30], [sflag:$0x2] =	stream.indirect_vreg.gather [hbm4b:s4+s1], $0x80, v3, vm0, $0xb8;
	[tilespmem:$0x11900] =	vst v63  }
0x163: {  	v3 =	vld.msk [tilespmem:$0x120], $0xff;
	_ =	sdelay $0x4  }
0x164: {  	v45 =	vshll.u32 v3, $0x1  }
0x165: {  	v3 =	vand.u32 $0x7, v3;
	v4 =	vand.u32 $0xFFFFFFF0, v45  }
0x166: {  	v3 =	vor.u32 v3, v4  }
0x167: {  	v3 =	vperm.xlane v3, v0;
	_ =	sdelay $0x1  }
0x168: {  	v3 =	vadd.s32 v1, v3;
	_ =	sdelay $0x4  }
0x169: {  	[tilespmem:s31], [sflag:$0x2] =	stream.indirect_vreg.gather [hbm4b:s4+s1], $0x80, v3, vm0, $0xb8;
	[tilespmem:$0x11900] =	vst v63  }
0x16a: {  	v3 =	vld [tilespmem:$0x0]  }
0x16b: {  	v46 =	vld [tilespmem:$0x100];
	_ =	sdelay $0x6  }
0x16c: {  	v5 =	vld.idx.msk [tilespmem:v3+s16+$0x0], $0xffff  }
0x16d: {  	v6 =	vld.idx.msk [tilespmem:v46+s16+$0x0], $0xffff  }
0x16e: {  	v7 =	vld.idx.msk [tilespmem:v3+s18+$0x0], $0xffff  }
0x16f: {  	v8 =	vld.idx.msk [tilespmem:v46+s18+$0x0], $0xffff  }
0x170: {  	v3 =	vld.idx.msk [tilespmem:v3+s19+$0x0], $0xffff  }
0x171: {  	v4 =	vld.idx.msk [tilespmem:v46+s19+$0x0], $0xffff;
	_ =	sdelay $0x2  }
0x172: {  	v5 =	vsub.f32 v5, v6;
	v47 =	vsub.f32 v7, v8  }
0x173: {  	v48 =	vld [tilespmem:$0x10]  }
0x174: {  	v51 =	vld [tilespmem:$0x110];
	v3 =	vsub.f32 v3, v4;
	v49 =	vmul.f32 v5, v5;
	v50 =	vmul.f32 v47, v47;
	_ =	sdelay $0x1  }
0x175: {  	v3 =	vmul.f32 v3, v3;
	v4 =	vadd.f32 v50, v49;
	_ =	sdelay $0x1  }
0x176: {  	v3 =	vadd.f32 v3, v4;
	_ =	sdelay $0x1  }
0x177: {  	[tilespmem:$0x11880] =	vst v3  }
0x178: {  	v3 =	vld.idx.msk [tilespmem:v48+s16+$0x0], $0xffff  }
0x179: {  	v52 =	vld.idx.msk [tilespmem:v51+s16+$0x0], $0xffff  }
0x17a: {  	v53 =	vld.idx.msk [tilespmem:v48+s18+$0x0], $0xffff  }
0x17b: {  	v54 =	vld.idx.msk [tilespmem:v51+s18+$0x0], $0xffff  }
0x17c: {  	v7 =	vld.idx.msk [tilespmem:v48+s19+$0x0], $0xffff  }
0x17d: {  	v6 =	vld.idx.msk [tilespmem:v51+s19+$0x0], $0xffff;
	_ =	sdelay $0x2  }
0x17e: {  	v3 =	vsub.f32 v3, v52;
	v55 =	vsub.f32 v53, v54  }
0x17f: {  	v56 =	vld [tilespmem:$0x18]  }
0x180: {  	v57 =	vld [tilespmem:$0x118];
	v6 =	vsub.f32 v7, v6;
	v3 =	vmul.f32 v3, v3;
	v4 =	vmul.f32 v55, v55;
	_ =	sdelay $0x1  }
0x181: {  	v58 =	vmul.f32 v6, v6;
	v3 =	vadd.f32 v4, v3;
	_ =	sdelay $0x1  }
0x182: {  	v3 =	vadd.f32 v58, v3;
	_ =	sdelay $0x1  }
0x183: {  	[tilespmem:$0x11890] =	vst v3  }
0x184: {  	v3 =	vld.idx.msk [tilespmem:v56+s16+$0x0], $0xffff  }
0x185: {  	v59 =	vld.idx.msk [tilespmem:v57+s16+$0x0], $0xffff  }
0x186: {  	v60 =	vld.idx.msk [tilespmem:v56+s18+$0x0], $0xffff  }
0x187: {  	v61 =	vld.idx.msk [tilespmem:v57+s18+$0x0], $0xffff  }
0x188: {  	v5 =	vld.idx.msk [tilespmem:v56+s19+$0x0], $0xffff  }
0x189: {  	v7 =	vld.idx.msk [tilespmem:v57+s19+$0x0], $0xffff;
	_ =	sdelay $0x2  }
0x18a: {  	v3 =	vsub.f32 v3, v59;
	v62 =	vsub.f32 v60, v61;
	_ =	sdelay $0x1  }
0x18b: {  	v5 =	vsub.f32 v5, v7;
	v3 =	vmul.f32 v3, v3;
	v4 =	vmul.f32 v62, v62;
	_ =	sdelay $0x1  }
0x18c: {  	v63 =	vmul.f32 v5, v5;
	v3 =	vadd.f32 v4, v3;
	_ =	sdelay $0x1  }
0x18d: {  	v3 =	vadd.f32 v63, v3;
	_ =	sdelay $0x1  }
0x18e: {  	s13 =	rddreg [dreg:$0x15];
	[tilespmem:$0x11898] =	vst v3  }
0x18f: {  	[hbm4b:s13+s1] =	stream.linear.scatter [tilespmem:s0], [sflag:$0x9], $0x28, $0x38;
	[tilespmem:$0x11900] =	vst v63  }
0x190: {  	_ =	swait.ge [sflag:s17], $0x28  }
0x191: {  	[sflag:s17] =	ssyncset.done $0x0  }
0x192: {  	[sflag:s17] =	ssyncadd.s32 $0xFFFFFFD8  }
0x193: {  	_ =	swait.ge [sflag:s2], $0x2800  }
0x194: {  	[sflag:s2] =	ssyncset.done $0x0  }
0x195: {  	s14 =	rddreg [dreg:$0x16];
	[sflag:s2] =	ssyncadd.s32 $0xFFFFD800  }
0x196: {  	[hbm4b:s14+s1] =	stream.linear.scatter [tilespmem:s21], [sflag:$0x5], $0x2800, $0x38;
	[tilespmem:$0x11900] =	vst v63  }
0x197: {  	_ =	swait.ge [sflag:s5], $0x2800  }
0x198: {  	[sflag:s5] =	ssyncset.done $0x0  }
0x199: {  	s15 =	rddreg [dreg:$0x17];
	[sflag:s5] =	ssyncadd.s32 $0xFFFFD800  }
0x19a: {  	[hbm4b:s15+s1] =	stream.linear.scatter [tilespmem:s26], [sflag:$0x6], $0x2800, $0x38;
	[tilespmem:$0x11900] =	vst v63  }
0x19b: {  	_ =	swait.ge [sflag:s11], $0x2800  }
0x19c: {  	[sflag:s11] =	ssyncset.done $0x0  }
0x19d: {  	[sflag:s11] =	ssyncadd.s32 $0xFFFFD800  }
0x19e: {  	_ =	swait.ge [sflag:s12], $0x2800  }
0x19f: {  	[sflag:s12] =	ssyncset.done $0x0  }
0x1a0: {  	[sflag:s12] =	ssyncadd.s32 $0xFFFFD800;
	s12 =	simm.s32 $0x7  }
0x1a1: {  	_ =	swait.ge [sflag:s12], $0x2800  }
0x1a2: {  	[sflag:s12] =	ssyncset.done $0x0  }
0x1a3: {  	s13 =	simm.s32 $0x8;
	[sflag:s12] =	ssyncadd.s32 $0xFFFFD800  }
0x1a4: {  	_ =	swait.ge [sflag:s13], $0x2800  }
0x1a5: {  	s14 =	rddreg [dreg:$0x1b]  }
0x1a6: {  	s15 =	rddreg [dreg:$0x18];
	s12 =	sadd.s32 $0x1, s14  }
0x1a7: {  	p0 =	sne.s32 s12, s15  }
.Ltmp1:
0x1a8: {  	_ = 	snop;
	(pc) =	sbr.rel @p0 .LBB2_1-.Ltmp1, $3  }
0x1a9: {  	_ =	sdelay $0x1  }
0x1aa: {  	[sflag:s13] =	ssyncset.done $0x0  }
0x1ab: {  	[sflag:s13] =	ssyncadd.s32 $0xFFFFD800  }
0x1ac: {  	_ =	sfence.sel $0x180000  }
0x1ad: {  	[bflag:$0x0] =	sbarrier.arrive $0xFFFF  }
0x1ae: {  	_ =	strace $0x90000047  }
0x1af: {  	s0 =	stileid.u32;
	[bflag:$0x2] =	sbarrier.arrive $0xFFFF  }
0x1b0: {  	p0 =	sne.s32 s0, $0x0;
	s0 =	rddreg [dreg:$0x2]  }
0x1b1: {  	s0 =	sadd.s32 @!p0 $0x100000, s0  }
0x1b2: {  	[sflag:s0] =	ssyncadd.tile.s32 @!p0 $0x1;
	_ =	shalt  }
.Lfunc_end2:
_tile_overlayer_lowered:
.L_overlay_start_2:
0x1b3: {  	(tag) =	ssettag $0x2  }
0x1b4: {  	s0 =	rddreg [dreg:$0x0];
	s2 =	stileid.u32  }
0x1b5: {  	s1 =	rddreg [dreg:$0x1];
	p0 =	sne.s32 s2, $0x0  }
0x1b6: {  	s3 =	rddreg [dreg:$0x2];
	[bflag:$0x3] =	sbarrier.arrive $0xFFFF;
	s2 =	simm.s32 @!p0 $0x1C09  }
0x1b7: {  	[timem:s3], [sflag:s2] =	dma.local @!p0 [hbm:s0], s1  }
0x1b8: {  	s0 =	simm.s32 @!p0 $0x9  }
0x1b9: {  	_ =	swait.ge @!p0 [sflag:s0], s1  }
0x1ba: {  	s1 =	ssub.s32 @!p0 $0x0, s1;
	[sflag:s0] =	ssyncset.done @!p0 $0x0  }
0x1bb: {  	[sflag:s0] =	ssyncadd.s32 @!p0 s1  }
0x1bc: {  	[bflag:$0x3] =	sbarrier.arrive $0xFFFF  }
0x1bd: {  	_ =	shalt  }

</sc_bundles>
